<compile_context>
chip_gen: v7x
topology: tpu7x:2x2x1
jax: 0.10.2.dev20260603
libtpu: 0.0.44.dev20260713+nightly
codegen_flags: <defaults>
</compile_context>

<pallas_src>
import functools

import jax
import jax.numpy as jnp
from jax import lax
from jax.experimental import pallas as pl
from jax.experimental.pallas import tpu as pltpu
from jax.experimental.pallas import tpu_sc as plsc

_LANES = 16
_CHUNK = 128


@functools.partial(jax.jit, static_argnums=(2, 3))
def _ppd_loss(flat_logits, targets, n, c):
    info = plsc.get_sparse_core_info()
    nc, ns = info.num_cores, info.num_subcores
    nw = nc * ns
    b_per_w = n // nw
    n_chunks = b_per_w // _CHUNK
    sub = _CHUNK // _LANES

    mesh = plsc.VectorSubcoreMesh(core_axis_name="c", subcore_axis_name="s")

    @functools.partial(
        pl.kernel,
        mesh=mesh,
        out_type=[
            jax.ShapeDtypeStruct((nw, _LANES), jnp.float32),
            jax.ShapeDtypeStruct((nw, _LANES), jnp.float32),
        ],
        scratch_types=[
            pltpu.VMEM((b_per_w,), jnp.int32),
            pltpu.VMEM((n_chunks, _CHUNK), jnp.int32),
            pltpu.VMEM((n_chunks, _CHUNK), jnp.float32),
            pltpu.VMEM((_LANES,), jnp.float32),
            pltpu.VMEM((_LANES,), jnp.float32),
            pltpu.SemaphoreType.DMA,
        ],
    )
    def sc_kernel(
        logits_hbm, tgt_hbm, loss_out, cnt_out, tgt_v, idx_v, gath_v, lsum_v, csum_v, sem
    ):
        wid = lax.axis_index("s") * nc + lax.axis_index("c")
        base = wid * b_per_w
        pltpu.sync_copy(tgt_hbm.at[pl.ds(base, b_per_w)], tgt_v)

        lane = lax.iota(jnp.int32, _LANES)

        def idx_body(j, carry):
            for u in range(sub):
                off = j * _CHUNK + u * _LANES
                t = tgt_v[pl.ds(off, _LANES)]
                tcl = jnp.clip(t, 0, c - 1)
                row = base + off + lane
                idx_v[j, pl.ds(u * _LANES, _LANES)] = row * c + tcl
            return carry

        lax.fori_loop(0, n_chunks, idx_body, 0)

        def fire(j, carry):
            pltpu.async_copy(logits_hbm.at[idx_v.at[j]], gath_v.at[j], sem)
            return carry

        lax.fori_loop(0, n_chunks, fire, 0)

        def drain(j, carry):
            pltpu.make_async_copy(
                logits_hbm.at[idx_v.at[j]], gath_v.at[j], sem
            ).wait()
            return carry

        lax.fori_loop(0, n_chunks, drain, 0)

        def loss_body(j, carry):
            acc, cnt = carry
            for u in range(sub):
                off = j * _CHUNK + u * _LANES
                t = tgt_v[pl.ds(off, _LANES)]
                x = gath_v[j, pl.ds(u * _LANES, _LANES)]
                valid = t != -1
                d = 1.0 - x
                acc = acc + jnp.where(valid, d * d, 0.0)
                cnt = cnt + jnp.where(valid, 1.0, 0.0)
            return acc, cnt

        zero = jnp.zeros((_LANES,), jnp.float32)
        acc, cnt = lax.fori_loop(0, n_chunks, loss_body, (zero, zero))
        lsum_v[...] = acc
        csum_v[...] = cnt
        pltpu.sync_copy(lsum_v, loss_out.at[wid])
        pltpu.sync_copy(csum_v, cnt_out.at[wid])

    loss_p, cnt_p = sc_kernel(flat_logits, targets)

    def reduce_body(loss_ref, cnt_ref, out_ref):
        s = jnp.sum(loss_ref[...])
        nvalid = jnp.maximum(jnp.sum(cnt_ref[...]), 1.0)
        out_ref[...] = jnp.broadcast_to(s / nvalid, (1, 1))

    total = pl.pallas_call(
        reduce_body,
        out_shape=jax.ShapeDtypeStruct((1, 1), jnp.float32),
    )(loss_p, cnt_p)
    return total[0, 0]


def kernel(contrast_logits, contrast_target):
    n, c = contrast_logits.shape
    flat = contrast_logits.reshape(-1)
    tgt = contrast_target.astype(jnp.int32)
    return _ppd_loss(flat, tgt, n, c)

# --- scband reference (transcript-rebuilt; emitter-appended) ---
"""Pipeline reference for scband-ppd-11871289606185 (READ-ONLY COPY).

The authoritative reference and input builder live on the scoring server;
editing this copy changes nothing except your own understanding.
"""

import jax, jax.numpy as jnp
import numpy as np

N = 262144
C = 170

def setup_inputs(seed: int = 0) -> dict:
    key = jax.random.key(seed)
    k1, k2 = jax.random.split(key)
    contrast_logits = jax.random.normal(k1, (N, C), dtype=jnp.float32)
    contrast_target = jax.random.randint(k2, (N,), 0, C, dtype=jnp.int32).astype(jnp.int64)
    return {"contrast_logits": contrast_logits, "contrast_target": contrast_target}


def reference(contrast_logits, contrast_target):
    # ignore_label = -1; bg_reweight branch is inactive because learn_bg=False.
    valid = contrast_target != -1
    # Gather the logit at the target prototype index per row.
    idx = jnp.clip(contrast_target, 0, contrast_logits.shape[1] - 1).astype(jnp.int32)
    logits = jnp.take_along_axis(contrast_logits, idx[:, None], axis=1)[:, 0]
    loss = (1.0 - logits) ** 2
    # Masked mean over valid entries (equivalent to boolean-mask indexing + mean).
    loss = jnp.where(valid, loss, 0.0)
    n_valid = jnp.maximum(jnp.sum(valid.astype(jnp.float32)), 1.0)
    return jnp.sum(loss) / n_valid

if __name__ == "__main__":
    import jax
    _d = setup_inputs()
    print(jax.jit(kernel)(*tuple(_d.values())))

</pallas_src>

<mosaic_0001>
#map = affine_map<(d0, d1) -> (0)>
#map1 = affine_map<(d0, d1) -> (0, 0)>
module attributes {stable_mosaic.version = 14 : i64} {
  func.func @sc_kernel(%arg0: i32, %arg1: i32, %arg2: memref<44564480xf32, #tpu.memory_space<hbm>>, %arg3: memref<262144xi32, #tpu.memory_space<hbm>>, %arg4: memref<32x16xf32, #tpu.memory_space<hbm>>, %arg5: memref<32x16xf32, #tpu.memory_space<hbm>>, %arg6: memref<8192xi32, #tpu.memory_space<vmem>>, %arg7: memref<64x128xi32, #tpu.memory_space<vmem>>, %arg8: memref<64x128xf32, #tpu.memory_space<vmem>>, %arg9: memref<16xf32, #tpu.memory_space<vmem>>, %arg10: memref<16xf32, #tpu.memory_space<vmem>>, %arg11: memref<!tpu.dma_semaphore, #tpu.memory_space<semaphore_mem>>) attributes {dimension_semantics = [#tpu.dimension_semantics<core_parallel>, #tpu.dimension_semantics<subcore_parallel>], iteration_bounds = array<i64: 2, 16>, scalar_prefetch = 0 : i64, scratch_operands = 6 : i64, tpu.core_type = #tpu.core_type<sc_vector_subcore>, window_params = [{transform_indices = #map}, {transform_indices = #map}, {transform_indices = #map1}, {transform_indices = #map1}]} {
    %mul3A = arith.constant 2 : i32
    %mul3A_0 = arith.muli %arg1, %mul3A : i32
    %add3A = arith.addi %mul3A_0, %arg0 : i32
    %mul3A_1 = arith.constant 8192 : i32
    %mul3A_2 = arith.muli %add3A, %mul3A_1 : i32
    "tpu.region"() ({
      %run_scoped3A = tpu.sem_alloc : memref<!tpu.dma_semaphore, #tpu.memory_space<semaphore_mem>>
      %dma_start3A = tpu.memref_slice %arg3[%mul3A_2] : memref<262144xi32, #tpu.memory_space<hbm>> -> memref<8192xi32, #tpu.memory_space<hbm>>
      %dma_start3A_34 = tpu.memref_slice %arg3[%mul3A_2] : memref<262144xi32, #tpu.memory_space<hbm>> -> memref<8192xi32, #tpu.memory_space<hbm>>
      tpu.enqueue_dma source(%dma_start3A_34 : memref<8192xi32, #tpu.memory_space<hbm>>) target(%arg6 : memref<8192xi32, #tpu.memory_space<vmem>>) target_semaphore(%run_scoped3A : memref<!tpu.dma_semaphore, #tpu.memory_space<semaphore_mem>>)
      %dma_wait3A = tpu.memref_slice %arg3[%mul3A_2] : memref<262144xi32, #tpu.memory_space<hbm>> -> memref<8192xi32, #tpu.memory_space<hbm>>
      %dma_wait3A_35 = tpu.memref_slice %arg3[%mul3A_2] : memref<262144xi32, #tpu.memory_space<hbm>> -> memref<8192xi32, #tpu.memory_space<hbm>>
      tpu.wait_dma2 semaphore(%run_scoped3A : memref<!tpu.dma_semaphore, #tpu.memory_space<semaphore_mem>>) src(%dma_wait3A_35 : memref<8192xi32, #tpu.memory_space<hbm>>) dst(%arg6 : memref<8192xi32, #tpu.memory_space<vmem>>)
      tpu.yield
    }) : () -> ()
    %iota3A = tpu.iota {dimensions = array<i32: 0>} : vector<16xi32>
    %scan3A = arith.constant 0 : i32
    %scan3A_3 = arith.constant 0 : i32
    %scan3A_4 = arith.constant 64 : i32
    %scan3A_5 = arith.addi %scan3A_3, %scan3A_4 : i32
    %scan3A_6 = arith.constant 1 : i32
    scf.for %scan3A_34 = %scan3A_3 to %scan3A_5 step %scan3A_6  : i32 {
      %mul3A_35 = arith.constant 128 : i32
      %mul3A_36 = arith.muli %scan3A_34, %mul3A_35 : i32
      %add3A_37 = arith.constant 0 : i32
      %add3A_38 = arith.addi %mul3A_36, %add3A_37 : i32
      %get3A = arith.index_cast %add3A_38 : i32 to index
      %get3A_39 = tpu.vector_load %arg6[%get3A] {strides = array<i32>} : memref<8192xi32, #tpu.memory_space<vmem>>, vector<16xi32>,
      %get3A_40 = vector.shape_cast %get3A_39 : vector<16xi32> to vector<16xi32>
      %jit3A = arith.constant 0 : i32
      %jit3A_41 = arith.constant 169 : i32
      %max3A = vector.broadcast %jit3A : i32 to vector<16xi32>
      %max3A_42 = arith.maxsi %max3A, %get3A_40 : vector<16xi32>
      %min3A = vector.broadcast %jit3A_41 : i32 to vector<16xi32>
      %min3A_43 = arith.minsi %min3A, %max3A_42 : vector<16xi32>
      %add3A_44 = arith.addi %mul3A_2, %add3A_38 : i32
      %add3A_45 = vector.broadcast %add3A_44 : i32 to vector<16xi32>
      %add3A_46 = arith.addi %add3A_45, %iota3A : vector<16xi32>
      %mul3A_47 = arith.constant 170 : i32
      %mul3A_48 = vector.broadcast %mul3A_47 : i32 to vector<16xi32>
      %mul3A_49 = arith.muli %add3A_46, %mul3A_48 : vector<16xi32>
      %add3A_50 = arith.addi %mul3A_49, %min3A_43 : vector<16xi32>
      %swap3A_51 = arith.index_cast %scan3A_34 : i32 to index
      %swap3A_52 = arith.constant 0 : index
      %swap3A_53 = tpu.vector_load %arg7[%swap3A_51, %swap3A_52] {strides = array<i32>} : memref<64x128xi32, #tpu.memory_space<vmem>>, vector<1x16xi32>,
      %swap3A_54 = vector.shape_cast %swap3A_53 : vector<1x16xi32> to vector<16xi32>
      %swap3A_55 = vector.shape_cast %add3A_50 : vector<16xi32> to vector<1x16xi32>
      tpu.vector_store %arg7[%swap3A_51, %swap3A_52], %swap3A_55 {strides = array<i32>} : memref<64x128xi32, #tpu.memory_space<vmem>>, vector<1x16xi32>,
      %mul3A_56 = arith.constant 128 : i32
      %mul3A_57 = arith.muli %scan3A_34, %mul3A_56 : i32
      %add3A_58 = arith.constant 16 : i32
      %add3A_59 = arith.addi %mul3A_57, %add3A_58 : i32
      %get3A_60 = arith.index_cast %add3A_59 : i32 to index
      %get3A_61 = tpu.vector_load %arg6[%get3A_60] {strides = array<i32>} : memref<8192xi32, #tpu.memory_space<vmem>>, vector<16xi32>,
      %get3A_62 = vector.shape_cast %get3A_61 : vector<16xi32> to vector<16xi32>
      %jit3A_63 = arith.constant 0 : i32
      %jit3A_64 = arith.constant 169 : i32
      %max3A_65 = vector.broadcast %jit3A_63 : i32 to vector<16xi32>
      %max3A_66 = arith.maxsi %max3A_65, %get3A_62 : vector<16xi32>
      %min3A_67 = vector.broadcast %jit3A_64 : i32 to vector<16xi32>
      %min3A_68 = arith.minsi %min3A_67, %max3A_66 : vector<16xi32>
      %add3A_69 = arith.addi %mul3A_2, %add3A_59 : i32
      %add3A_70 = vector.broadcast %add3A_69 : i32 to vector<16xi32>
      %add3A_71 = arith.addi %add3A_70, %iota3A : vector<16xi32>
      %mul3A_72 = arith.constant 170 : i32
      %mul3A_73 = vector.broadcast %mul3A_72 : i32 to vector<16xi32>
      %mul3A_74 = arith.muli %add3A_71, %mul3A_73 : vector<16xi32>
      %add3A_75 = arith.addi %mul3A_74, %min3A_68 : vector<16xi32>
      %swap3A_76 = arith.index_cast %scan3A_34 : i32 to index
      %swap3A_77 = arith.constant 16 : index
      %swap3A_78 = tpu.vector_load %arg7[%swap3A_76, %swap3A_77] {strides = array<i32>} : memref<64x128xi32, #tpu.memory_space<vmem>>, vector<1x16xi32>,
      %swap3A_79 = vector.shape_cast %swap3A_78 : vector<1x16xi32> to vector<16xi32>
      %swap3A_80 = vector.shape_cast %add3A_75 : vector<16xi32> to vector<1x16xi32>
      tpu.vector_store %arg7[%swap3A_76, %swap3A_77], %swap3A_80 {strides = array<i32>} : memref<64x128xi32, #tpu.memory_space<vmem>>, vector<1x16xi32>,
      %mul3A_81 = arith.constant 128 : i32
      %mul3A_82 = arith.muli %scan3A_34, %mul3A_81 : i32
      %add3A_83 = arith.constant 32 : i32
      %add3A_84 = arith.addi %mul3A_82, %add3A_83 : i32
      %get3A_85 = arith.index_cast %add3A_84 : i32 to index
      %get3A_86 = tpu.vector_load %arg6[%get3A_85] {strides = array<i32>} : memref<8192xi32, #tpu.memory_space<vmem>>, vector<16xi32>,
      %get3A_87 = vector.shape_cast %get3A_86 : vector<16xi32> to vector<16xi32>
      %jit3A_88 = arith.constant 0 : i32
      %jit3A_89 = arith.constant 169 : i32
      %max3A_90 = vector.broadcast %jit3A_88 : i32 to vector<16xi32>
      %max3A_91 = arith.maxsi %max3A_90, %get3A_87 : vector<16xi32>
      %min3A_92 = vector.broadcast %jit3A_89 : i32 to vector<16xi32>
      %min3A_93 = arith.minsi %min3A_92, %max3A_91 : vector<16xi32>
      %add3A_94 = arith.addi %mul3A_2, %add3A_84 : i32
      %add3A_95 = vector.broadcast %add3A_94 : i32 to vector<16xi32>
      %add3A_96 = arith.addi %add3A_95, %iota3A : vector<16xi32>
      %mul3A_97 = arith.constant 170 : i32
      %mul3A_98 = vector.broadcast %mul3A_97 : i32 to vector<16xi32>
      %mul3A_99 = arith.muli %add3A_96, %mul3A_98 : vector<16xi32>
      %add3A_100 = arith.addi %mul3A_99, %min3A_93 : vector<16xi32>
      %swap3A_101 = arith.index_cast %scan3A_34 : i32 to index
      %swap3A_102 = arith.constant 32 : index
      %swap3A_103 = tpu.vector_load %arg7[%swap3A_101, %swap3A_102] {strides = array<i32>} : memref<64x128xi32, #tpu.memory_space<vmem>>, vector<1x16xi32>,
      %swap3A_104 = vector.shape_cast %swap3A_103 : vector<1x16xi32> to vector<16xi32>
      %swap3A_105 = vector.shape_cast %add3A_100 : vector<16xi32> to vector<1x16xi32>
      tpu.vector_store %arg7[%swap3A_101, %swap3A_102], %swap3A_105 {strides = array<i32>} : memref<64x128xi32, #tpu.memory_space<vmem>>, vector<1x16xi32>,
      %mul3A_106 = arith.constant 128 : i32
      %mul3A_107 = arith.muli %scan3A_34, %mul3A_106 : i32
      %add3A_108 = arith.constant 48 : i32
      %add3A_109 = arith.addi %mul3A_107, %add3A_108 : i32
      %get3A_110 = arith.index_cast %add3A_109 : i32 to index
      %get3A_111 = tpu.vector_load %arg6[%get3A_110] {strides = array<i32>} : memref<8192xi32, #tpu.memory_space<vmem>>, vector<16xi32>,
      %get3A_112 = vector.shape_cast %get3A_111 : vector<16xi32> to vector<16xi32>
      %jit3A_113 = arith.constant 0 : i32
      %jit3A_114 = arith.constant 169 : i32
      %max3A_115 = vector.broadcast %jit3A_113 : i32 to vector<16xi32>
      %max3A_116 = arith.maxsi %max3A_115, %get3A_112 : vector<16xi32>
      %min3A_117 = vector.broadcast %jit3A_114 : i32 to vector<16xi32>
      %min3A_118 = arith.minsi %min3A_117, %max3A_116 : vector<16xi32>
      %add3A_119 = arith.addi %mul3A_2, %add3A_109 : i32
      %add3A_120 = vector.broadcast %add3A_119 : i32 to vector<16xi32>
      %add3A_121 = arith.addi %add3A_120, %iota3A : vector<16xi32>
      %mul3A_122 = arith.constant 170 : i32
      %mul3A_123 = vector.broadcast %mul3A_122 : i32 to vector<16xi32>
      %mul3A_124 = arith.muli %add3A_121, %mul3A_123 : vector<16xi32>
      %add3A_125 = arith.addi %mul3A_124, %min3A_118 : vector<16xi32>
      %swap3A_126 = arith.index_cast %scan3A_34 : i32 to index
      %swap3A_127 = arith.constant 48 : index
      %swap3A_128 = tpu.vector_load %arg7[%swap3A_126, %swap3A_127] {strides = array<i32>} : memref<64x128xi32, #tpu.memory_space<vmem>>, vector<1x16xi32>,
      %swap3A_129 = vector.shape_cast %swap3A_128 : vector<1x16xi32> to vector<16xi32>
      %swap3A_130 = vector.shape_cast %add3A_125 : vector<16xi32> to vector<1x16xi32>
      tpu.vector_store %arg7[%swap3A_126, %swap3A_127], %swap3A_130 {strides = array<i32>} : memref<64x128xi32, #tpu.memory_space<vmem>>, vector<1x16xi32>,
      %mul3A_131 = arith.constant 128 : i32
      %mul3A_132 = arith.muli %scan3A_34, %mul3A_131 : i32
      %add3A_133 = arith.constant 64 : i32
      %add3A_134 = arith.addi %mul3A_132, %add3A_133 : i32
      %get3A_135 = arith.index_cast %add3A_134 : i32 to index
      %get3A_136 = tpu.vector_load %arg6[%get3A_135] {strides = array<i32>} : memref<8192xi32, #tpu.memory_space<vmem>>, vector<16xi32>,
      %get3A_137 = vector.shape_cast %get3A_136 : vector<16xi32> to vector<16xi32>
      %jit3A_138 = arith.constant 0 : i32
      %jit3A_139 = arith.constant 169 : i32
      %max3A_140 = vector.broadcast %jit3A_138 : i32 to vector<16xi32>
      %max3A_141 = arith.maxsi %max3A_140, %get3A_137 : vector<16xi32>
      %min3A_142 = vector.broadcast %jit3A_139 : i32 to vector<16xi32>
      %min3A_143 = arith.minsi %min3A_142, %max3A_141 : vector<16xi32>
      %add3A_144 = arith.addi %mul3A_2, %add3A_134 : i32
      %add3A_145 = vector.broadcast %add3A_144 : i32 to vector<16xi32>
      %add3A_146 = arith.addi %add3A_145, %iota3A : vector<16xi32>
      %mul3A_147 = arith.constant 170 : i32
      %mul3A_148 = vector.broadcast %mul3A_147 : i32 to vector<16xi32>
      %mul3A_149 = arith.muli %add3A_146, %mul3A_148 : vector<16xi32>
      %add3A_150 = arith.addi %mul3A_149, %min3A_143 : vector<16xi32>
      %swap3A_151 = arith.index_cast %scan3A_34 : i32 to index
      %swap3A_152 = arith.constant 64 : index
      %swap3A_153 = tpu.vector_load %arg7[%swap3A_151, %swap3A_152] {strides = array<i32>} : memref<64x128xi32, #tpu.memory_space<vmem>>, vector<1x16xi32>,
      %swap3A_154 = vector.shape_cast %swap3A_153 : vector<1x16xi32> to vector<16xi32>
      %swap3A_155 = vector.shape_cast %add3A_150 : vector<16xi32> to vector<1x16xi32>
      tpu.vector_store %arg7[%swap3A_151, %swap3A_152], %swap3A_155 {strides = array<i32>} : memref<64x128xi32, #tpu.memory_space<vmem>>, vector<1x16xi32>,
      %mul3A_156 = arith.constant 128 : i32
      %mul3A_157 = arith.muli %scan3A_34, %mul3A_156 : i32
      %add3A_158 = arith.constant 80 : i32
      %add3A_159 = arith.addi %mul3A_157, %add3A_158 : i32
      %get3A_160 = arith.index_cast %add3A_159 : i32 to index
      %get3A_161 = tpu.vector_load %arg6[%get3A_160] {strides = array<i32>} : memref<8192xi32, #tpu.memory_space<vmem>>, vector<16xi32>,
      %get3A_162 = vector.shape_cast %get3A_161 : vector<16xi32> to vector<16xi32>
      %jit3A_163 = arith.constant 0 : i32
      %jit3A_164 = arith.constant 169 : i32
      %max3A_165 = vector.broadcast %jit3A_163 : i32 to vector<16xi32>
      %max3A_166 = arith.maxsi %max3A_165, %get3A_162 : vector<16xi32>
      %min3A_167 = vector.broadcast %jit3A_164 : i32 to vector<16xi32>
      %min3A_168 = arith.minsi %min3A_167, %max3A_166 : vector<16xi32>
      %add3A_169 = arith.addi %mul3A_2, %add3A_159 : i32
      %add3A_170 = vector.broadcast %add3A_169 : i32 to vector<16xi32>
      %add3A_171 = arith.addi %add3A_170, %iota3A : vector<16xi32>
      %mul3A_172 = arith.constant 170 : i32
      %mul3A_173 = vector.broadcast %mul3A_172 : i32 to vector<16xi32>
      %mul3A_174 = arith.muli %add3A_171, %mul3A_173 : vector<16xi32>
      %add3A_175 = arith.addi %mul3A_174, %min3A_168 : vector<16xi32>
      %swap3A_176 = arith.index_cast %scan3A_34 : i32 to index
      %swap3A_177 = arith.constant 80 : index
      %swap3A_178 = tpu.vector_load %arg7[%swap3A_176, %swap3A_177] {strides = array<i32>} : memref<64x128xi32, #tpu.memory_space<vmem>>, vector<1x16xi32>,
      %swap3A_179 = vector.shape_cast %swap3A_178 : vector<1x16xi32> to vector<16xi32>
      %swap3A_180 = vector.shape_cast %add3A_175 : vector<16xi32> to vector<1x16xi32>
      tpu.vector_store %arg7[%swap3A_176, %swap3A_177], %swap3A_180 {strides = array<i32>} : memref<64x128xi32, #tpu.memory_space<vmem>>, vector<1x16xi32>,
      %mul3A_181 = arith.constant 128 : i32
      %mul3A_182 = arith.muli %scan3A_34, %mul3A_181 : i32
      %add3A_183 = arith.constant 96 : i32
      %add3A_184 = arith.addi %mul3A_182, %add3A_183 : i32
      %get3A_185 = arith.index_cast %add3A_184 : i32 to index
      %get3A_186 = tpu.vector_load %arg6[%get3A_185] {strides = array<i32>} : memref<8192xi32, #tpu.memory_space<vmem>>, vector<16xi32>,
      %get3A_187 = vector.shape_cast %get3A_186 : vector<16xi32> to vector<16xi32>
      %jit3A_188 = arith.constant 0 : i32
      %jit3A_189 = arith.constant 169 : i32
      %max3A_190 = vector.broadcast %jit3A_188 : i32 to vector<16xi32>
      %max3A_191 = arith.maxsi %max3A_190, %get3A_187 : vector<16xi32>
      %min3A_192 = vector.broadcast %jit3A_189 : i32 to vector<16xi32>
      %min3A_193 = arith.minsi %min3A_192, %max3A_191 : vector<16xi32>
      %add3A_194 = arith.addi %mul3A_2, %add3A_184 : i32
      %add3A_195 = vector.broadcast %add3A_194 : i32 to vector<16xi32>
      %add3A_196 = arith.addi %add3A_195, %iota3A : vector<16xi32>
      %mul3A_197 = arith.constant 170 : i32
      %mul3A_198 = vector.broadcast %mul3A_197 : i32 to vector<16xi32>
      %mul3A_199 = arith.muli %add3A_196, %mul3A_198 : vector<16xi32>
      %add3A_200 = arith.addi %mul3A_199, %min3A_193 : vector<16xi32>
      %swap3A_201 = arith.index_cast %scan3A_34 : i32 to index
      %swap3A_202 = arith.constant 96 : index
      %swap3A_203 = tpu.vector_load %arg7[%swap3A_201, %swap3A_202] {strides = array<i32>} : memref<64x128xi32, #tpu.memory_space<vmem>>, vector<1x16xi32>,
      %swap3A_204 = vector.shape_cast %swap3A_203 : vector<1x16xi32> to vector<16xi32>
      %swap3A_205 = vector.shape_cast %add3A_200 : vector<16xi32> to vector<1x16xi32>
      tpu.vector_store %arg7[%swap3A_201, %swap3A_202], %swap3A_205 {strides = array<i32>} : memref<64x128xi32, #tpu.memory_space<vmem>>, vector<1x16xi32>,
      %mul3A_206 = arith.constant 128 : i32
      %mul3A_207 = arith.muli %scan3A_34, %mul3A_206 : i32
      %add3A_208 = arith.constant 112 : i32
      %add3A_209 = arith.addi %mul3A_207, %add3A_208 : i32
      %get3A_210 = arith.index_cast %add3A_209 : i32 to index
      %get3A_211 = tpu.vector_load %arg6[%get3A_210] {strides = array<i32>} : memref<8192xi32, #tpu.memory_space<vmem>>, vector<16xi32>,
      %get3A_212 = vector.shape_cast %get3A_211 : vector<16xi32> to vector<16xi32>
      %jit3A_213 = arith.constant 0 : i32
      %jit3A_214 = arith.constant 169 : i32
      %max3A_215 = vector.broadcast %jit3A_213 : i32 to vector<16xi32>
      %max3A_216 = arith.maxsi %max3A_215, %get3A_212 : vector<16xi32>
      %min3A_217 = vector.broadcast %jit3A_214 : i32 to vector<16xi32>
      %min3A_218 = arith.minsi %min3A_217, %max3A_216 : vector<16xi32>
      %add3A_219 = arith.addi %mul3A_2, %add3A_209 : i32
      %add3A_220 = vector.broadcast %add3A_219 : i32 to vector<16xi32>
      %add3A_221 = arith.addi %add3A_220, %iota3A : vector<16xi32>
      %mul3A_222 = arith.constant 170 : i32
      %mul3A_223 = vector.broadcast %mul3A_222 : i32 to vector<16xi32>
      %mul3A_224 = arith.muli %add3A_221, %mul3A_223 : vector<16xi32>
      %add3A_225 = arith.addi %mul3A_224, %min3A_218 : vector<16xi32>
      %swap3A_226 = arith.index_cast %scan3A_34 : i32 to index
      %swap3A_227 = arith.constant 112 : index
      %swap3A_228 = tpu.vector_load %arg7[%swap3A_226, %swap3A_227] {strides = array<i32>} : memref<64x128xi32, #tpu.memory_space<vmem>>, vector<1x16xi32>,
      %swap3A_229 = vector.shape_cast %swap3A_228 : vector<1x16xi32> to vector<16xi32>
      %swap3A_230 = vector.shape_cast %add3A_225 : vector<16xi32> to vector<1x16xi32>
      tpu.vector_store %arg7[%swap3A_226, %swap3A_227], %swap3A_230 {strides = array<i32>} : memref<64x128xi32, #tpu.memory_space<vmem>>, vector<1x16xi32>,
    }
    %scan3A_7 = arith.constant 64 : i32
    %scan3A_8 = arith.constant 0 : i32
    %scan3A_9 = arith.constant 0 : i32
    %scan3A_10 = arith.constant 64 : i32
    %scan3A_11 = arith.addi %scan3A_9, %scan3A_10 : i32
    %scan3A_12 = arith.constant 1 : i32
    scf.for %scan3A_34 = %scan3A_9 to %scan3A_11 step %scan3A_12  : i32 {
      %dma_start3A = arith.constant 0 : i32
      %dma_start3A_35 = tpu.memref_slice %arg8[%scan3A_34, %dma_start3A] : memref<64x128xf32, #tpu.memory_space<vmem>> -> memref<1x128xf32, #tpu.memory_space<vmem>>
      %dma_start3A_36 = tpu.memref_squeeze %dma_start3A_35 : memref<1x128xf32, #tpu.memory_space<vmem>> -> memref<128xf32, #tpu.memory_space<vmem>>
      %dma_start3A_37 = arith.constant 0 : i32
      %dma_start3A_38 = tpu.memref_slice %arg7[%scan3A_34, %dma_start3A_37] : memref<64x128xi32, #tpu.memory_space<vmem>> -> memref<1x128xi32, #tpu.memory_space<vmem>>
      %dma_start3A_39 = tpu.memref_squeeze %dma_start3A_38 : memref<1x128xi32, #tpu.memory_space<vmem>> -> memref<128xi32, #tpu.memory_space<vmem>>
      %dma_start3A_40 = arith.constant 0 : i32
      %dma_start3A_41 = tpu.memref_slice %arg2[%dma_start3A_40] : memref<44564480xf32, #tpu.memory_space<hbm>> -> memref<44564480xf32, #tpu.memory_space<hbm>>
      tpu.enqueue_indirect_dma source(%dma_start3A_41 : memref<44564480xf32, #tpu.memory_space<hbm>>) target(%dma_start3A_36 : memref<128xf32, #tpu.memory_space<vmem>>) offsets(%dma_start3A_39 : memref<128xi32, #tpu.memory_space<vmem>>) semaphore(%arg11 : memref<!tpu.dma_semaphore, #tpu.memory_space<semaphore_mem>>)
    }
    %scan3A_13 = arith.constant 64 : i32
    %scan3A_14 = arith.constant 0 : i32
    %scan3A_15 = arith.constant 0 : i32
    %scan3A_16 = arith.constant 64 : i32
    %scan3A_17 = arith.addi %scan3A_15, %scan3A_16 : i32
    %scan3A_18 = arith.constant 1 : i32
    scf.for %scan3A_34 = %scan3A_15 to %scan3A_17 step %scan3A_18  : i32 {
      %dma_wait3A = arith.constant 0 : i32
      %dma_wait3A_35 = tpu.memref_slice %arg8[%scan3A_34, %dma_wait3A] : memref<64x128xf32, #tpu.memory_space<vmem>> -> memref<1x128xf32, #tpu.memory_space<vmem>>
      %dma_wait3A_36 = tpu.memref_squeeze %dma_wait3A_35 : memref<1x128xf32, #tpu.memory_space<vmem>> -> memref<128xf32, #tpu.memory_space<vmem>>
      %dma_wait3A_37 = arith.constant 0 : i32
      %dma_wait3A_38 = tpu.memref_slice %arg7[%scan3A_34, %dma_wait3A_37] : memref<64x128xi32, #tpu.memory_space<vmem>> -> memref<1x128xi32, #tpu.memory_space<vmem>>
      %dma_wait3A_39 = tpu.memref_squeeze %dma_wait3A_38 : memref<1x128xi32, #tpu.memory_space<vmem>> -> memref<128xi32, #tpu.memory_space<vmem>>
      %dma_wait3A_40 = arith.constant 0 : i32
      %dma_wait3A_41 = tpu.memref_slice %arg2[%dma_wait3A_40] : memref<44564480xf32, #tpu.memory_space<hbm>> -> memref<44564480xf32, #tpu.memory_space<hbm>>
      tpu.wait_indirect_dma semaphore(%arg11 : memref<!tpu.dma_semaphore, #tpu.memory_space<semaphore_mem>>) src(%dma_wait3A_41 : memref<44564480xf32, #tpu.memory_space<hbm>>) dst(%dma_wait3A_36 : memref<128xf32, #tpu.memory_space<vmem>>)
    }
    %scan3A_19 = arith.constant 64 : i32
    %broadcast_in_dim3A = arith.constant 0.000000e+00 : f32
    %broadcast_in_dim3A_20 = vector.broadcast %broadcast_in_dim3A : f32 to vector<16xf32>
    %scan3A_21 = arith.constant 0 : i32
    %scan3A_22 = arith.constant 64 : i32
    %scan3A_23 = arith.addi %scan3A_21, %scan3A_22 : i32
    %scan3A_24 = arith.constant 1 : i32
    %scan3A_25:2 = scf.for %scan3A_34 = %scan3A_21 to %scan3A_23 step %scan3A_24 iter_args(%scan3A_35 = %broadcast_in_dim3A_20, %scan3A_36 = %broadcast_in_dim3A_20) -> (vector<16xf32>, vector<16xf32>)  : i32 {
      %mul3A_37 = arith.constant 128 : i32
      %mul3A_38 = arith.muli %scan3A_34, %mul3A_37 : i32
      %add3A_39 = arith.constant 0 : i32
      %add3A_40 = arith.addi %mul3A_38, %add3A_39 : i32
      %get3A = arith.index_cast %add3A_40 : i32 to index
      %get3A_41 = tpu.vector_load %arg6[%get3A] {strides = array<i32>} : memref<8192xi32, #tpu.memory_space<vmem>>, vector<16xi32>,
      %get3A_42 = vector.shape_cast %get3A_41 : vector<16xi32> to vector<16xi32>
      %get3A_43 = arith.index_cast %scan3A_34 : i32 to index
      %get3A_44 = arith.constant 0 : index
      %get3A_45 = tpu.vector_load %arg8[%get3A_43, %get3A_44] {strides = array<i32>} : memref<64x128xf32, #tpu.memory_space<vmem>>, vector<1x16xf32>,
      %get3A_46 = vector.shape_cast %get3A_45 : vector<1x16xf32> to vector<16xf32>
      %ne3A = arith.constant -1 : i32
      %ne3A_47 = vector.broadcast %ne3A : i32 to vector<16xi32>
      %ne3A_48 = arith.cmpi ne, %get3A_42, %ne3A_47 : vector<16xi32>
      %sub3A = arith.constant 1.000000e+00 : f32
      %sub3A_49 = vector.broadcast %sub3A : f32 to vector<16xf32>
      %sub3A_50 = arith.subf %sub3A_49, %get3A_46 : vector<16xf32>
      %mul3A_51 = arith.mulf %sub3A_50, %sub3A_50 : vector<16xf32>
      %jit3A = arith.constant 0.000000e+00 : f32
      %broadcast_in_dim3A_52 = vector.broadcast %jit3A : f32 to vector<16xf32>
      %select_n3A = arith.select %ne3A_48, %mul3A_51, %broadcast_in_dim3A_52 : vector<16xi1>, vector<16xf32>
      %add3A_53 = arith.addf %scan3A_35, %select_n3A : vector<16xf32>
      %jit3A_54 = arith.constant 1.000000e+00 : f32
      %jit3A_55 = arith.constant 0.000000e+00 : f32
      %broadcast_in_dim3A_56 = vector.broadcast %jit3A_54 : f32 to vector<16xf32>
      %broadcast_in_dim3A_57 = vector.broadcast %jit3A_55 : f32 to vector<16xf32>
      %select_n3A_58 = arith.select %ne3A_48, %broadcast_in_dim3A_56, %broadcast_in_dim3A_57 : vector<16xi1>, vector<16xf32>
      %add3A_59 = arith.addf %scan3A_36, %select_n3A_58 : vector<16xf32>
      %mul3A_60 = arith.constant 128 : i32
      %mul3A_61 = arith.muli %scan3A_34, %mul3A_60 : i32
      %add3A_62 = arith.constant 16 : i32
      %add3A_63 = arith.addi %mul3A_61, %add3A_62 : i32
      %get3A_64 = arith.index_cast %add3A_63 : i32 to index
      %get3A_65 = tpu.vector_load %arg6[%get3A_64] {strides = array<i32>} : memref<8192xi32, #tpu.memory_space<vmem>>, vector<16xi32>,
      %get3A_66 = vector.shape_cast %get3A_65 : vector<16xi32> to vector<16xi32>
      %get3A_67 = arith.index_cast %scan3A_34 : i32 to index
      %get3A_68 = arith.constant 16 : index
      %get3A_69 = tpu.vector_load %arg8[%get3A_67, %get3A_68] {strides = array<i32>} : memref<64x128xf32, #tpu.memory_space<vmem>>, vector<1x16xf32>,
      %get3A_70 = vector.shape_cast %get3A_69 : vector<1x16xf32> to vector<16xf32>
      %ne3A_71 = arith.constant -1 : i32
      %ne3A_72 = vector.broadcast %ne3A_71 : i32 to vector<16xi32>
      %ne3A_73 = arith.cmpi ne, %get3A_66, %ne3A_72 : vector<16xi32>
      %sub3A_74 = arith.constant 1.000000e+00 : f32
      %sub3A_75 = vector.broadcast %sub3A_74 : f32 to vector<16xf32>
      %sub3A_76 = arith.subf %sub3A_75, %get3A_70 : vector<16xf32>
      %mul3A_77 = arith.mulf %sub3A_76, %sub3A_76 : vector<16xf32>
      %jit3A_78 = arith.constant 0.000000e+00 : f32
      %broadcast_in_dim3A_79 = vector.broadcast %jit3A_78 : f32 to vector<16xf32>
      %select_n3A_80 = arith.select %ne3A_73, %mul3A_77, %broadcast_in_dim3A_79 : vector<16xi1>, vector<16xf32>
      %add3A_81 = arith.addf %add3A_53, %select_n3A_80 : vector<16xf32>
      %jit3A_82 = arith.constant 1.000000e+00 : f32
      %jit3A_83 = arith.constant 0.000000e+00 : f32
      %broadcast_in_dim3A_84 = vector.broadcast %jit3A_82 : f32 to vector<16xf32>
      %broadcast_in_dim3A_85 = vector.broadcast %jit3A_83 : f32 to vector<16xf32>
      %select_n3A_86 = arith.select %ne3A_73, %broadcast_in_dim3A_84, %broadcast_in_dim3A_85 : vector<16xi1>, vector<16xf32>
      %add3A_87 = arith.addf %add3A_59, %select_n3A_86 : vector<16xf32>
      %mul3A_88 = arith.constant 128 : i32
      %mul3A_89 = arith.muli %scan3A_34, %mul3A_88 : i32
      %add3A_90 = arith.constant 32 : i32
      %add3A_91 = arith.addi %mul3A_89, %add3A_90 : i32
      %get3A_92 = arith.index_cast %add3A_91 : i32 to index
      %get3A_93 = tpu.vector_load %arg6[%get3A_92] {strides = array<i32>} : memref<8192xi32, #tpu.memory_space<vmem>>, vector<16xi32>,
      %get3A_94 = vector.shape_cast %get3A_93 : vector<16xi32> to vector<16xi32>
      %get3A_95 = arith.index_cast %scan3A_34 : i32 to index
      %get3A_96 = arith.constant 32 : index
      %get3A_97 = tpu.vector_load %arg8[%get3A_95, %get3A_96] {strides = array<i32>} : memref<64x128xf32, #tpu.memory_space<vmem>>, vector<1x16xf32>,
      %get3A_98 = vector.shape_cast %get3A_97 : vector<1x16xf32> to vector<16xf32>
      %ne3A_99 = arith.constant -1 : i32
      %ne3A_100 = vector.broadcast %ne3A_99 : i32 to vector<16xi32>
      %ne3A_101 = arith.cmpi ne, %get3A_94, %ne3A_100 : vector<16xi32>
      %sub3A_102 = arith.constant 1.000000e+00 : f32
      %sub3A_103 = vector.broadcast %sub3A_102 : f32 to vector<16xf32>
      %sub3A_104 = arith.subf %sub3A_103, %get3A_98 : vector<16xf32>
      %mul3A_105 = arith.mulf %sub3A_104, %sub3A_104 : vector<16xf32>
      %jit3A_106 = arith.constant 0.000000e+00 : f32
      %broadcast_in_dim3A_107 = vector.broadcast %jit3A_106 : f32 to vector<16xf32>
      %select_n3A_108 = arith.select %ne3A_101, %mul3A_105, %broadcast_in_dim3A_107 : vector<16xi1>, vector<16xf32>
      %add3A_109 = arith.addf %add3A_81, %select_n3A_108 : vector<16xf32>
      %jit3A_110 = arith.constant 1.000000e+00 : f32
      %jit3A_111 = arith.constant 0.000000e+00 : f32
      %broadcast_in_dim3A_112 = vector.broadcast %jit3A_110 : f32 to vector<16xf32>
      %broadcast_in_dim3A_113 = vector.broadcast %jit3A_111 : f32 to vector<16xf32>
      %select_n3A_114 = arith.select %ne3A_101, %broadcast_in_dim3A_112, %broadcast_in_dim3A_113 : vector<16xi1>, vector<16xf32>
      %add3A_115 = arith.addf %add3A_87, %select_n3A_114 : vector<16xf32>
      %mul3A_116 = arith.constant 128 : i32
      %mul3A_117 = arith.muli %scan3A_34, %mul3A_116 : i32
      %add3A_118 = arith.constant 48 : i32
      %add3A_119 = arith.addi %mul3A_117, %add3A_118 : i32
      %get3A_120 = arith.index_cast %add3A_119 : i32 to index
      %get3A_121 = tpu.vector_load %arg6[%get3A_120] {strides = array<i32>} : memref<8192xi32, #tpu.memory_space<vmem>>, vector<16xi32>,
      %get3A_122 = vector.shape_cast %get3A_121 : vector<16xi32> to vector<16xi32>
      %get3A_123 = arith.index_cast %scan3A_34 : i32 to index
      %get3A_124 = arith.constant 48 : index
      %get3A_125 = tpu.vector_load %arg8[%get3A_123, %get3A_124] {strides = array<i32>} : memref<64x128xf32, #tpu.memory_space<vmem>>, vector<1x16xf32>,
      %get3A_126 = vector.shape_cast %get3A_125 : vector<1x16xf32> to vector<16xf32>
      %ne3A_127 = arith.constant -1 : i32
      %ne3A_128 = vector.broadcast %ne3A_127 : i32 to vector<16xi32>
      %ne3A_129 = arith.cmpi ne, %get3A_122, %ne3A_128 : vector<16xi32>
      %sub3A_130 = arith.constant 1.000000e+00 : f32
      %sub3A_131 = vector.broadcast %sub3A_130 : f32 to vector<16xf32>
      %sub3A_132 = arith.subf %sub3A_131, %get3A_126 : vector<16xf32>
      %mul3A_133 = arith.mulf %sub3A_132, %sub3A_132 : vector<16xf32>
      %jit3A_134 = arith.constant 0.000000e+00 : f32
      %broadcast_in_dim3A_135 = vector.broadcast %jit3A_134 : f32 to vector<16xf32>
      %select_n3A_136 = arith.select %ne3A_129, %mul3A_133, %broadcast_in_dim3A_135 : vector<16xi1>, vector<16xf32>
      %add3A_137 = arith.addf %add3A_109, %select_n3A_136 : vector<16xf32>
      %jit3A_138 = arith.constant 1.000000e+00 : f32
      %jit3A_139 = arith.constant 0.000000e+00 : f32
      %broadcast_in_dim3A_140 = vector.broadcast %jit3A_138 : f32 to vector<16xf32>
      %broadcast_in_dim3A_141 = vector.broadcast %jit3A_139 : f32 to vector<16xf32>
      %select_n3A_142 = arith.select %ne3A_129, %broadcast_in_dim3A_140, %broadcast_in_dim3A_141 : vector<16xi1>, vector<16xf32>
      %add3A_143 = arith.addf %add3A_115, %select_n3A_142 : vector<16xf32>
      %mul3A_144 = arith.constant 128 : i32
      %mul3A_145 = arith.muli %scan3A_34, %mul3A_144 : i32
      %add3A_146 = arith.constant 64 : i32
      %add3A_147 = arith.addi %mul3A_145, %add3A_146 : i32
      %get3A_148 = arith.index_cast %add3A_147 : i32 to index
      %get3A_149 = tpu.vector_load %arg6[%get3A_148] {strides = array<i32>} : memref<8192xi32, #tpu.memory_space<vmem>>, vector<16xi32>,
      %get3A_150 = vector.shape_cast %get3A_149 : vector<16xi32> to vector<16xi32>
      %get3A_151 = arith.index_cast %scan3A_34 : i32 to index
      %get3A_152 = arith.constant 64 : index
      %get3A_153 = tpu.vector_load %arg8[%get3A_151, %get3A_152] {strides = array<i32>} : memref<64x128xf32, #tpu.memory_space<vmem>>, vector<1x16xf32>,
      %get3A_154 = vector.shape_cast %get3A_153 : vector<1x16xf32> to vector<16xf32>
      %ne3A_155 = arith.constant -1 : i32
      %ne3A_156 = vector.broadcast %ne3A_155 : i32 to vector<16xi32>
      %ne3A_157 = arith.cmpi ne, %get3A_150, %ne3A_156 : vector<16xi32>
      %sub3A_158 = arith.constant 1.000000e+00 : f32
      %sub3A_159 = vector.broadcast %sub3A_158 : f32 to vector<16xf32>
      %sub3A_160 = arith.subf %sub3A_159, %get3A_154 : vector<16xf32>
      %mul3A_161 = arith.mulf %sub3A_160, %sub3A_160 : vector<16xf32>
      %jit3A_162 = arith.constant 0.000000e+00 : f32
      %broadcast_in_dim3A_163 = vector.broadcast %jit3A_162 : f32 to vector<16xf32>
      %select_n3A_164 = arith.select %ne3A_157, %mul3A_161, %broadcast_in_dim3A_163 : vector<16xi1>, vector<16xf32>
      %add3A_165 = arith.addf %add3A_137, %select_n3A_164 : vector<16xf32>
      %jit3A_166 = arith.constant 1.000000e+00 : f32
      %jit3A_167 = arith.constant 0.000000e+00 : f32
      %broadcast_in_dim3A_168 = vector.broadcast %jit3A_166 : f32 to vector<16xf32>
      %broadcast_in_dim3A_169 = vector.broadcast %jit3A_167 : f32 to vector<16xf32>
      %select_n3A_170 = arith.select %ne3A_157, %broadcast_in_dim3A_168, %broadcast_in_dim3A_169 : vector<16xi1>, vector<16xf32>
      %add3A_171 = arith.addf %add3A_143, %select_n3A_170 : vector<16xf32>
      %mul3A_172 = arith.constant 128 : i32
      %mul3A_173 = arith.muli %scan3A_34, %mul3A_172 : i32
      %add3A_174 = arith.constant 80 : i32
      %add3A_175 = arith.addi %mul3A_173, %add3A_174 : i32
      %get3A_176 = arith.index_cast %add3A_175 : i32 to index
      %get3A_177 = tpu.vector_load %arg6[%get3A_176] {strides = array<i32>} : memref<8192xi32, #tpu.memory_space<vmem>>, vector<16xi32>,
      %get3A_178 = vector.shape_cast %get3A_177 : vector<16xi32> to vector<16xi32>
      %get3A_179 = arith.index_cast %scan3A_34 : i32 to index
      %get3A_180 = arith.constant 80 : index
      %get3A_181 = tpu.vector_load %arg8[%get3A_179, %get3A_180] {strides = array<i32>} : memref<64x128xf32, #tpu.memory_space<vmem>>, vector<1x16xf32>,
      %get3A_182 = vector.shape_cast %get3A_181 : vector<1x16xf32> to vector<16xf32>
      %ne3A_183 = arith.constant -1 : i32
      %ne3A_184 = vector.broadcast %ne3A_183 : i32 to vector<16xi32>
      %ne3A_185 = arith.cmpi ne, %get3A_178, %ne3A_184 : vector<16xi32>
      %sub3A_186 = arith.constant 1.000000e+00 : f32
      %sub3A_187 = vector.broadcast %sub3A_186 : f32 to vector<16xf32>
      %sub3A_188 = arith.subf %sub3A_187, %get3A_182 : vector<16xf32>
      %mul3A_189 = arith.mulf %sub3A_188, %sub3A_188 : vector<16xf32>
      %jit3A_190 = arith.constant 0.000000e+00 : f32
      %broadcast_in_dim3A_191 = vector.broadcast %jit3A_190 : f32 to vector<16xf32>
      %select_n3A_192 = arith.select %ne3A_185, %mul3A_189, %broadcast_in_dim3A_191 : vector<16xi1>, vector<16xf32>
      %add3A_193 = arith.addf %add3A_165, %select_n3A_192 : vector<16xf32>
      %jit3A_194 = arith.constant 1.000000e+00 : f32
      %jit3A_195 = arith.constant 0.000000e+00 : f32
      %broadcast_in_dim3A_196 = vector.broadcast %jit3A_194 : f32 to vector<16xf32>
      %broadcast_in_dim3A_197 = vector.broadcast %jit3A_195 : f32 to vector<16xf32>
      %select_n3A_198 = arith.select %ne3A_185, %broadcast_in_dim3A_196, %broadcast_in_dim3A_197 : vector<16xi1>, vector<16xf32>
      %add3A_199 = arith.addf %add3A_171, %select_n3A_198 : vector<16xf32>
      %mul3A_200 = arith.constant 128 : i32
      %mul3A_201 = arith.muli %scan3A_34, %mul3A_200 : i32
      %add3A_202 = arith.constant 96 : i32
      %add3A_203 = arith.addi %mul3A_201, %add3A_202 : i32
      %get3A_204 = arith.index_cast %add3A_203 : i32 to index
      %get3A_205 = tpu.vector_load %arg6[%get3A_204] {strides = array<i32>} : memref<8192xi32, #tpu.memory_space<vmem>>, vector<16xi32>,
      %get3A_206 = vector.shape_cast %get3A_205 : vector<16xi32> to vector<16xi32>
      %get3A_207 = arith.index_cast %scan3A_34 : i32 to index
      %get3A_208 = arith.constant 96 : index
      %get3A_209 = tpu.vector_load %arg8[%get3A_207, %get3A_208] {strides = array<i32>} : memref<64x128xf32, #tpu.memory_space<vmem>>, vector<1x16xf32>,
      %get3A_210 = vector.shape_cast %get3A_209 : vector<1x16xf32> to vector<16xf32>
      %ne3A_211 = arith.constant -1 : i32
      %ne3A_212 = vector.broadcast %ne3A_211 : i32 to vector<16xi32>
      %ne3A_213 = arith.cmpi ne, %get3A_206, %ne3A_212 : vector<16xi32>
      %sub3A_214 = arith.constant 1.000000e+00 : f32
      %sub3A_215 = vector.broadcast %sub3A_214 : f32 to vector<16xf32>
      %sub3A_216 = arith.subf %sub3A_215, %get3A_210 : vector<16xf32>
      %mul3A_217 = arith.mulf %sub3A_216, %sub3A_216 : vector<16xf32>
      %jit3A_218 = arith.constant 0.000000e+00 : f32
      %broadcast_in_dim3A_219 = vector.broadcast %jit3A_218 : f32 to vector<16xf32>
      %select_n3A_220 = arith.select %ne3A_213, %mul3A_217, %broadcast_in_dim3A_219 : vector<16xi1>, vector<16xf32>
      %add3A_221 = arith.addf %add3A_193, %select_n3A_220 : vector<16xf32>
      %jit3A_222 = arith.constant 1.000000e+00 : f32
      %jit3A_223 = arith.constant 0.000000e+00 : f32
      %broadcast_in_dim3A_224 = vector.broadcast %jit3A_222 : f32 to vector<16xf32>
      %broadcast_in_dim3A_225 = vector.broadcast %jit3A_223 : f32 to vector<16xf32>
      %select_n3A_226 = arith.select %ne3A_213, %broadcast_in_dim3A_224, %broadcast_in_dim3A_225 : vector<16xi1>, vector<16xf32>
      %add3A_227 = arith.addf %add3A_199, %select_n3A_226 : vector<16xf32>
      %mul3A_228 = arith.constant 128 : i32
      %mul3A_229 = arith.muli %scan3A_34, %mul3A_228 : i32
      %add3A_230 = arith.constant 112 : i32
      %add3A_231 = arith.addi %mul3A_229, %add3A_230 : i32
      %get3A_232 = arith.index_cast %add3A_231 : i32 to index
      %get3A_233 = tpu.vector_load %arg6[%get3A_232] {strides = array<i32>} : memref<8192xi32, #tpu.memory_space<vmem>>, vector<16xi32>,
      %get3A_234 = vector.shape_cast %get3A_233 : vector<16xi32> to vector<16xi32>
      %get3A_235 = arith.index_cast %scan3A_34 : i32 to index
      %get3A_236 = arith.constant 112 : index
      %get3A_237 = tpu.vector_load %arg8[%get3A_235, %get3A_236] {strides = array<i32>} : memref<64x128xf32, #tpu.memory_space<vmem>>, vector<1x16xf32>,
      %get3A_238 = vector.shape_cast %get3A_237 : vector<1x16xf32> to vector<16xf32>
      %ne3A_239 = arith.constant -1 : i32
      %ne3A_240 = vector.broadcast %ne3A_239 : i32 to vector<16xi32>
      %ne3A_241 = arith.cmpi ne, %get3A_234, %ne3A_240 : vector<16xi32>
      %sub3A_242 = arith.constant 1.000000e+00 : f32
      %sub3A_243 = vector.broadcast %sub3A_242 : f32 to vector<16xf32>
      %sub3A_244 = arith.subf %sub3A_243, %get3A_238 : vector<16xf32>
      %mul3A_245 = arith.mulf %sub3A_244, %sub3A_244 : vector<16xf32>
      %jit3A_246 = arith.constant 0.000000e+00 : f32
      %broadcast_in_dim3A_247 = vector.broadcast %jit3A_246 : f32 to vector<16xf32>
      %select_n3A_248 = arith.select %ne3A_241, %mul3A_245, %broadcast_in_dim3A_247 : vector<16xi1>, vector<16xf32>
      %add3A_249 = arith.addf %add3A_221, %select_n3A_248 : vector<16xf32>
      %jit3A_250 = arith.constant 1.000000e+00 : f32
      %jit3A_251 = arith.constant 0.000000e+00 : f32
      %broadcast_in_dim3A_252 = vector.broadcast %jit3A_250 : f32 to vector<16xf32>
      %broadcast_in_dim3A_253 = vector.broadcast %jit3A_251 : f32 to vector<16xf32>
      %select_n3A_254 = arith.select %ne3A_241, %broadcast_in_dim3A_252, %broadcast_in_dim3A_253 : vector<16xi1>, vector<16xf32>
      %add3A_255 = arith.addf %add3A_227, %select_n3A_254 : vector<16xf32>
      scf.yield %add3A_249, %add3A_255 : vector<16xf32>, vector<16xf32>
    }
    %scan3A_26 = arith.constant 64 : i32
    %swap3A = arith.constant 0 : index
    %swap3A_27 = tpu.vector_load %arg9[%swap3A] {strides = array<i32>} : memref<16xf32, #tpu.memory_space<vmem>>, vector<16xf32>,
    %swap3A_28 = vector.shape_cast %swap3A_27 : vector<16xf32> to vector<16xf32>
    %swap3A_29 = vector.shape_cast %scan3A_25#0 : vector<16xf32> to vector<16xf32>
    tpu.vector_store %arg9[%swap3A], %swap3A_29 {strides = array<i32>} : memref<16xf32, #tpu.memory_space<vmem>>, vector<16xf32>,
    %swap3A_30 = arith.constant 0 : index
    %swap3A_31 = tpu.vector_load %arg10[%swap3A_30] {strides = array<i32>} : memref<16xf32, #tpu.memory_space<vmem>>, vector<16xf32>,
    %swap3A_32 = vector.shape_cast %swap3A_31 : vector<16xf32> to vector<16xf32>
    %swap3A_33 = vector.shape_cast %scan3A_25#1 : vector<16xf32> to vector<16xf32>
    tpu.vector_store %arg10[%swap3A_30], %swap3A_33 {strides = array<i32>} : memref<16xf32, #tpu.memory_space<vmem>>, vector<16xf32>,
    "tpu.region"() ({
      %run_scoped3A = tpu.sem_alloc : memref<!tpu.dma_semaphore, #tpu.memory_space<semaphore_mem>>
      %dma_start3A = arith.constant 0 : i32
      %dma_start3A_34 = tpu.memref_slice %arg4[%add3A, %dma_start3A] : memref<32x16xf32, #tpu.memory_space<hbm>> -> memref<1x16xf32, #tpu.memory_space<hbm>>
      %dma_start3A_35 = tpu.memref_squeeze %dma_start3A_34 : memref<1x16xf32, #tpu.memory_space<hbm>> -> memref<16xf32, #tpu.memory_space<hbm>>
      %dma_start3A_36 = arith.constant 0 : i32
      %dma_start3A_37 = tpu.memref_slice %arg4[%add3A, %dma_start3A_36] : memref<32x16xf32, #tpu.memory_space<hbm>> -> memref<1x16xf32, #tpu.memory_space<hbm>>
      %dma_start3A_38 = tpu.memref_squeeze %dma_start3A_37 : memref<1x16xf32, #tpu.memory_space<hbm>> -> memref<16xf32, #tpu.memory_space<hbm>>
      tpu.enqueue_dma source(%arg9 : memref<16xf32, #tpu.memory_space<vmem>>) target(%dma_start3A_38 : memref<16xf32, #tpu.memory_space<hbm>>) target_semaphore(%run_scoped3A : memref<!tpu.dma_semaphore, #tpu.memory_space<semaphore_mem>>)
      %dma_wait3A = arith.constant 0 : i32
      %dma_wait3A_39 = tpu.memref_slice %arg4[%add3A, %dma_wait3A] : memref<32x16xf32, #tpu.memory_space<hbm>> -> memref<1x16xf32, #tpu.memory_space<hbm>>
      %dma_wait3A_40 = tpu.memref_squeeze %dma_wait3A_39 : memref<1x16xf32, #tpu.memory_space<hbm>> -> memref<16xf32, #tpu.memory_space<hbm>>
      %dma_wait3A_41 = arith.constant 0 : i32
      %dma_wait3A_42 = tpu.memref_slice %arg4[%add3A, %dma_wait3A_41] : memref<32x16xf32, #tpu.memory_space<hbm>> -> memref<1x16xf32, #tpu.memory_space<hbm>>
      %dma_wait3A_43 = tpu.memref_squeeze %dma_wait3A_42 : memref<1x16xf32, #tpu.memory_space<hbm>> -> memref<16xf32, #tpu.memory_space<hbm>>
      tpu.wait_dma2 semaphore(%run_scoped3A : memref<!tpu.dma_semaphore, #tpu.memory_space<semaphore_mem>>) src(%arg9 : memref<16xf32, #tpu.memory_space<vmem>>) dst(%dma_wait3A_43 : memref<16xf32, #tpu.memory_space<hbm>>)
      tpu.yield
    }) : () -> ()
    "tpu.region"() ({
      %run_scoped3A = tpu.sem_alloc : memref<!tpu.dma_semaphore, #tpu.memory_space<semaphore_mem>>
      %dma_start3A = arith.constant 0 : i32
      %dma_start3A_34 = tpu.memref_slice %arg5[%add3A, %dma_start3A] : memref<32x16xf32, #tpu.memory_space<hbm>> -> memref<1x16xf32, #tpu.memory_space<hbm>>
      %dma_start3A_35 = tpu.memref_squeeze %dma_start3A_34 : memref<1x16xf32, #tpu.memory_space<hbm>> -> memref<16xf32, #tpu.memory_space<hbm>>
      %dma_start3A_36 = arith.constant 0 : i32
      %dma_start3A_37 = tpu.memref_slice %arg5[%add3A, %dma_start3A_36] : memref<32x16xf32, #tpu.memory_space<hbm>> -> memref<1x16xf32, #tpu.memory_space<hbm>>
      %dma_start3A_38 = tpu.memref_squeeze %dma_start3A_37 : memref<1x16xf32, #tpu.memory_space<hbm>> -> memref<16xf32, #tpu.memory_space<hbm>>
      tpu.enqueue_dma source(%arg10 : memref<16xf32, #tpu.memory_space<vmem>>) target(%dma_start3A_38 : memref<16xf32, #tpu.memory_space<hbm>>) target_semaphore(%run_scoped3A : memref<!tpu.dma_semaphore, #tpu.memory_space<semaphore_mem>>)
      %dma_wait3A = arith.constant 0 : i32
      %dma_wait3A_39 = tpu.memref_slice %arg5[%add3A, %dma_wait3A] : memref<32x16xf32, #tpu.memory_space<hbm>> -> memref<1x16xf32, #tpu.memory_space<hbm>>
      %dma_wait3A_40 = tpu.memref_squeeze %dma_wait3A_39 : memref<1x16xf32, #tpu.memory_space<hbm>> -> memref<16xf32, #tpu.memory_space<hbm>>
      %dma_wait3A_41 = arith.constant 0 : i32
      %dma_wait3A_42 = tpu.memref_slice %arg5[%add3A, %dma_wait3A_41] : memref<32x16xf32, #tpu.memory_space<hbm>> -> memref<1x16xf32, #tpu.memory_space<hbm>>
      %dma_wait3A_43 = tpu.memref_squeeze %dma_wait3A_42 : memref<1x16xf32, #tpu.memory_space<hbm>> -> memref<16xf32, #tpu.memory_space<hbm>>
      tpu.wait_dma2 semaphore(%run_scoped3A : memref<!tpu.dma_semaphore, #tpu.memory_space<semaphore_mem>>) src(%arg10 : memref<16xf32, #tpu.memory_space<vmem>>) dst(%dma_wait3A_43 : memref<16xf32, #tpu.memory_space<hbm>>)
      tpu.yield
    }) : () -> ()
    return
  }
}

module attributes {stable_mosaic.version = 14 : i64} {
  func.func @reduce_body(%arg0: memref<32x16xf32, #tpu.memory_space<vmem>>, %arg1: memref<32x16xf32, #tpu.memory_space<vmem>>, %arg2: memref<1x1xf32, #tpu.memory_space<vmem>>) attributes {dimension_semantics = [], scalar_prefetch = 0 : i64, scratch_operands = 0 : i64, tpu.core_type = #tpu.core_type<tc>} {
    %get3A = arith.constant 0 : index
    %get3A_0 = arith.constant 0 : index
    %get3A_1 = vector.load %arg0[%get3A, %get3A_0] : memref<32x16xf32, #tpu.memory_space<vmem>>, vector<32x16xf32>
    %reduce_sum3A = vector.shape_cast %get3A_1 : vector<32x16xf32> to vector<1x32x16xf32>
    %reduce_sum3A_2 = arith.constant dense<0.000000e+00> : vector<1xf32>
    %reduce_sum3A_3 = vector.multi_reduction <add>, %reduce_sum3A, %reduce_sum3A_2 [1, 2] : vector<1x32x16xf32> to vector<1xf32>
    %reduce_sum3A_4 = vector.shape_cast %reduce_sum3A_3 : vector<1xf32> to vector<1x1x1xf32>
    %reduce_sum3A_5 = vector.extract %reduce_sum3A_4[0, 0, 0] : f32 from vector<1x1x1xf32>
    %get3A_6 = arith.constant 0 : index
    %get3A_7 = arith.constant 0 : index
    %get3A_8 = vector.load %arg1[%get3A_6, %get3A_7] : memref<32x16xf32, #tpu.memory_space<vmem>>, vector<32x16xf32>
    %reduce_sum3A_9 = vector.shape_cast %get3A_8 : vector<32x16xf32> to vector<1x32x16xf32>
    %reduce_sum3A_10 = arith.constant dense<0.000000e+00> : vector<1xf32>
    %reduce_sum3A_11 = vector.multi_reduction <add>, %reduce_sum3A_9, %reduce_sum3A_10 [1, 2] : vector<1x32x16xf32> to vector<1xf32>
    %reduce_sum3A_12 = vector.shape_cast %reduce_sum3A_11 : vector<1xf32> to vector<1x1x1xf32>
    %reduce_sum3A_13 = vector.extract %reduce_sum3A_12[0, 0, 0] : f32 from vector<1x1x1xf32>
    %max3A = arith.constant 1.000000e+00 : f32
    %max3A_14 = arith.maximumf %reduce_sum3A_13, %max3A : f32
    %div3A = arith.divf %reduce_sum3A_5, %max3A_14 : f32
    %broadcast_in_dim3A = vector.broadcast %div3A : f32 to vector<1x1xf32>
    %swap3A = arith.constant 0 : index
    %swap3A_15 = arith.constant 0 : index
    %swap3A_16 = vector.load %arg2[%swap3A, %swap3A_15] : memref<1x1xf32, #tpu.memory_space<vmem>>, vector<1x1xf32>
    tpu.vector_store %arg2[%swap3A, %swap3A_15], %broadcast_in_dim3A {strides = array<i32>} : memref<1x1xf32, #tpu.memory_space<vmem>>, vector<1x1xf32>,
    return
  }
}

</mosaic_0001>

<sc_bundles>
// kernel: _ppd_loss.4.cloned.1.call-start
scs
__scs_entry_jumppad:
0x0: {  	(pc) =	sbr.rel $0x88, $3  }
0x1: {  	(tag) =	ssettag $0x0;
	lr =	simm.s32 $0x1  }
0x2: {  	[smem:$0x3F9F] =	sst lr;
	_ =	strace $0xD0000000  }
0x3: {  	_ = 	snop  }
0x4: {  	_ = 	snop  }
0x5: {  	_ = 	snop  }
0x6: {  	_ = 	snop  }
0x7: {  	_ = 	snop  }
__scs_overlays_trampoline_lowered:
0x8: {  	[smem:$0x3FAE] =	sst s0  }
0x9: {  	[smem:$0x3FAF] =	sst s1  }
0xa: {  	[smem:$0x3FB0] =	sst s2  }
0xb: {  	[smem:$0x3FB1] =	sst s3  }
0xc: {  	[smem:$0x3FB2] =	sst s4  }
0xd: {  	[smem:$0x3FB3] =	sst s5  }
0xe: {  	[smem:$0x3FB4] =	sst s6  }
0xf: {  	[smem:$0x3FB5] =	sst s7  }
0x10: {  	[smem:$0x3FB6] =	sst s8  }
0x11: {  	[smem:$0x3FB7] =	sst s9;
	s0 =	simm.s32 @!p0 $0x0  }
0x12: {  	s1 =	sld [smem:$0x3F9D];
	s0 =	simm.s32 @p0 $0x1  }
0x13: {  	[smem:$0x3FB8] =	sst s0;
	s0 =	simm.s32 @!p1 $0x0  }
0x14: {  	s2 =	sld [smem:$0x3F9C];
	s0 =	simm.s32 @p1 $0x1  }
0x15: {  	[smem:$0x3FB9] =	sst s0;
	s0 =	simm.s32 @!p2 $0x0  }
0x16: {  	s3 =	sld [smem:$0x3FDB];
	s0 =	simm.s32 @p2 $0x1  }
0x17: {  	s4 =	simm.s32 $0x1BF5;
	[smem:$0x3FBB] =	sst s0  }
0x18: {  	s0 =	sld [smem:$0x3F9E];
	_ =	swait.ge [sflag:s4], $0x0  }
0x19: {  	s7 =	sld [smem:$0x3F9F]  }
0x1a: {  	s8 =	sadd.s32 $0xFFFFE003, lr  }
0x1b: {  	s9 =	sadd.s32 $0xFFFFFEF7, lr;
	s5 =	simm.s32 $0xFFFFFFFF;
	p2 =	slt.u32 s8, $0xFFFFF086  }
0x1c: {  	p1 =	slt.u32 s9, $0xF7A;
	s5 =	simm.s32 @!p2 $0x0  }
0x1d: {  	s5 =	simm.s32 @p1 $0x1;
	p0 =	seq.s32 s7, s2  }
0x1e: {  	s7 =	smul.u32 @!p0 $0xF7A, s2;
	p2 =	seq.s32 @!p0 s5, $0x0  }
0x1f: {  	s9 =	smul.u32 $0xF7A, s1;
	s8 =	simm.s32 @!p0 $0x1BF5;
	p2 =	por !p2, p0  }
0x20: {  	[sflag:s8] =	ssyncset.s32 @!p0 $0xFFFFF086;
	s6 =	sadd.s32 @!p0 s3, s7;
	s7 =	simm.s32 @!p0 $0x108  }
0x21: {  	s3 =	sadd.s32 s3, s9;
	s6 =	sadd.s32 @!p0 $0x88, s6;
	s7 =	simm.s32 @p2 $0x1082  }
0x22: {  	[simem:s7], [sflag:s8] =	dma.local @!p0 [hbm:s6], $0xF7A  }
0x23: {  	s9 =	sor.u32 $0xD0000000, s2;
	s6 =	simm.s32 $0x108;
	_ =	swait.ge @!p0 [sflag:s8], $0x0  }
0x24: {  	s3 =	sadd.s32 $0x88, s3;
	s6 =	simm.s32 @!p1 $0x1082;
	[sflag:s4] =	ssyncset.s32 $0xFFFFF086  }
0x25: {  	[simem:s6], [sflag:s4] =	dma.local [hbm:s3], $0xF7A  }
0x26: {  	[smem:$0x3F9F] =	sst s1;
	(tag) =	ssettag s2;
	_ =	strace s9  }
0x27: {  	s1 =	sld [smem:$0x3FAF]  }
0x28: {  	s2 =	sld [smem:$0x3FB0]  }
0x29: {  	s4 =	sld [smem:$0x3FB2]  }
0x2a: {  	p0 =	seq.s32 s5, $0x0;
	s5 =	sld [smem:$0x3FB3]  }
0x2b: {  	s6 =	sld [smem:$0x3FB4]  }
0x2c: {  	s7 =	sld [smem:$0x3FB5]  }
0x2d: {  	s3 =	simm.s32 $0x108;
	s8 =	sld [smem:$0x3FB6]  }
0x2e: {  	s3 =	simm.s32 @!p0 $0x1082;
	s9 =	sld [smem:$0x3FB7]  }
0x2f: {  	lr =	sadd.s32 s0, s3;
	s0 =	sld [smem:$0x3FAE]  }
0x30: {  	s3 =	sld [smem:$0x3FB1]  }
0x31: {  	[smem:$0x3FBA] =	sst s10  }
0x32: {  	s10 =	sld [smem:$0x3FB8];
	_ =	sdelay $0x3  }
0x33: {  	p0 =	seq.s32 s10, $0x1;
	s10 =	sld [smem:$0x3FBA];
	_ =	sdelay $0x3  }
0x34: {  	[smem:$0x3FBA] =	sst s10  }
0x35: {  	s10 =	sld [smem:$0x3FB9];
	_ =	sdelay $0x3  }
0x36: {  	p1 =	seq.s32 s10, $0x1;
	s10 =	sld [smem:$0x3FBA];
	_ =	sdelay $0x3  }
0x37: {  	[smem:$0x3FBA] =	sst s10  }
0x38: {  	s10 =	sld [smem:$0x3FBB]  }
0x39: {  	_ = 	snop;
	(pc) =	sbr.ind lr, $3  }
0x3a: {  	_ = 	snop  }
0x3b: {  	_ = 	snop  }
0x3c: {  	p2 =	seq.s32 s10, $0x1;
	s10 =	sld [smem:$0x3FBA]  }
0x3d: {  	_ =	shalt  }
0x3e: {  	_ =	shalt  }
0x3f: {  	_ =	shalt  }
0x40: {  	_ =	shalt  }
0x41: {  	_ =	shalt  }
0x42: {  	_ =	shalt  }
0x43: {  	_ =	shalt  }
0x44: {  	_ =	shalt  }
0x45: {  	_ =	shalt  }
0x46: {  	_ =	shalt  }
0x47: {  	_ =	shalt  }
0x48: {  	_ =	shalt  }
0x49: {  	_ =	shalt  }
0x4a: {  	_ =	shalt  }
0x4b: {  	_ =	shalt  }
0x4c: {  	_ =	shalt  }
0x4d: {  	_ =	shalt  }
0x4e: {  	_ =	shalt  }
0x4f: {  	_ =	shalt  }
0x50: {  	_ =	shalt  }
0x51: {  	_ =	shalt  }
0x52: {  	_ =	shalt  }
0x53: {  	_ =	shalt  }
0x54: {  	_ =	shalt  }
0x55: {  	_ =	shalt  }
0x56: {  	_ =	shalt  }
0x57: {  	_ =	shalt  }
0x58: {  	_ =	shalt  }
0x59: {  	_ =	shalt  }
0x5a: {  	_ =	shalt  }
0x5b: {  	_ =	shalt  }
0x5c: {  	_ =	shalt  }
0x5d: {  	_ =	shalt  }
0x5e: {  	_ =	shalt  }
0x5f: {  	_ =	shalt  }
0x60: {  	_ =	shalt  }
0x61: {  	_ =	shalt  }
0x62: {  	_ =	shalt  }
0x63: {  	_ =	shalt  }
0x64: {  	_ =	shalt  }
0x65: {  	_ =	shalt  }
0x66: {  	_ =	shalt  }
0x67: {  	_ =	shalt  }
0x68: {  	_ =	shalt  }
0x69: {  	_ =	shalt  }
0x6a: {  	_ =	shalt  }
0x6b: {  	_ =	shalt  }
0x6c: {  	_ =	shalt  }
0x6d: {  	_ =	shalt  }
0x6e: {  	_ =	shalt  }
0x6f: {  	_ =	shalt  }
0x70: {  	_ =	shalt  }
0x71: {  	_ =	shalt  }
0x72: {  	_ =	shalt  }
0x73: {  	_ =	shalt  }
0x74: {  	_ =	shalt  }
0x75: {  	_ =	shalt  }
0x76: {  	_ =	shalt  }
0x77: {  	_ =	shalt  }
0x78: {  	_ =	shalt  }
0x79: {  	_ =	shalt  }
0x7a: {  	_ =	shalt  }
0x7b: {  	_ =	shalt  }
0x7c: {  	_ =	shalt  }
0x7d: {  	_ =	shalt  }
0x7e: {  	_ =	shalt  }
0x7f: {  	_ =	shalt  }
0x80: {  	_ =	shalt  }
0x81: {  	_ =	shalt  }
0x82: {  	_ =	shalt  }
0x83: {  	_ =	shalt  }
0x84: {  	_ =	shalt  }
0x85: {  	_ =	shalt  }
0x86: {  	_ =	shalt  }
0x87: {  	_ =	shalt  }
.Lfunc_end0:
.L_simem_size_0:
called_computation_lowered:
.L_overlay_start_0:
0x88: {  	s2 =	sld [smem:$0x3FD9]  }
0x89: {  	s3 =	sld [smem:$0x3FFE];
	_ =	sdelay $0x1  }
0x8a: {  	s1 =	srdreg.scid  }
0x8b: {  	s0 =	sand.u32 $0x1, s1  }
0x8c: {  	s17 =	sshll.u32 s0, $0xA;
	s2 =	sadd.s32 s3, s2  }
0x8d: {  	s2 =	sadd.s32 s2, s17  }
0x8e: {  	[smem:$0x3FC6] =	sst s2  }
0x8f: {  	_ = 	snop  }
0x90: {  	s2 =	sld [smem:$0x3FC9]  }
0x91: {  	s18 =	sld [smem:$0x3FC8];
	(tm) =	ssettm $0x1  }
0x92: {  	s4 =	sld [smem:$0x3FFB];
	_ =	sdelay $0x3  }
0x93: {  	_ =	strace s4  }
0x94: {  	s4 =	sld [smem:$0x3FFC];
	_ =	sdelay $0x3  }
0x95: {  	_ =	strace s4  }
0x96: {  	s4 =	sld [smem:$0x3FFD];
	_ =	sdelay $0x3  }
0x97: {  	_ =	strace s4  }
0x98: {  	_ =	strace $0x8FFFFFFF  }
0x99: {  	s19 =	sld [smem:$0x3FDB];
	_ =	sdelay $0x1  }
0x9a: {  	s5 =	simm.s32 $_scs_section_size  }
0x9b: {  	s6 =	simm.s32 $_size__tile_overlayer_lowered;
	s7 =	simm.s32 $_tile_overlayer_lowered  }
0x9c: {  	s22 =	simm.s32 $0x1BFF;
	s21 =	sshll.u32 s7, $0x1;
	s4 =	sadd.s32 s5, s19  }
0x9d: {  	s8 =	simm.s32 $0x0;
	s20 =	sshll.u32 s6, $0x1;
	s6 =	sadd.s32 s21, s4  }
0x9e: {  	[timem:s8], [sflag:s22] =	dma.local [hbm:s6], s20  }
0x9f: {  	_ =	swait.ge [sflag:s22], s20  }
0xa0: {  	s5 =	ssub.s32 $0x0, s20;
	[sflag:s22] =	ssyncset.done $0x0  }
0xa1: {  	[sflag:s22] =	ssyncadd.s32 s5;
	_ =	sdelay $0x1  }
0xa2: {  	s23 =	simm.s32 $0x1B8B  }
0xa3: {  	_ =	swait.ge [sflag:s23], $0x1  }
0xa4: {  	[sflag:s23] =	ssyncset.done $0x0  }
0xa5: {  	s25 =	simm.s32 $0x1B8E;
	s24 =	sld [smem:$0x3FFE];
	[sflag:s23] =	ssyncadd.s32 $0xFFFFFFFF  }
0xa6: {  	s26 =	simm.s32 $execute0_lowered;
	[smem:$0x3FD2] =	sst s25  }
0xa7: {  	s6 =	sshll.u32 s26, $0x1;
	_ =	strace $0x80000046;
	[dreg:$0x1] =	wrdreg $0xFFFFFFFF  }
0xa8: {  	s28 =	simm.s32 $_size_execute0_lowered;
	s4 =	sadd.s32 s4, s6;
	[dreg:$0x0] =	wrdreg $0x0  }
0xa9: {  	s6 =	sshll.u32 s28, $0x1;
	[dreg:$0x2] =	wrdreg s4  }
0xaa: {  	[dreg:$0x3] =	wrdreg s6  }
0xab: {  	[dreg:$0x4] =	wrdreg $0xC0  }
0xac: {  	_ =	task [dreg:s8], $0x5FFFF  }
0xad: {  	[dreg:$0x1] =	wrdreg $0xFFFFFFFF  }
0xae: {  	[dreg:$0x0] =	wrdreg $0x60  }
0xaf: {  	[dreg:$0x2] =	wrdreg s2  }
0xb0: {  	[dreg:$0x3] =	wrdreg s18  }
0xb1: {  	[dreg:$0x4] =	wrdreg s24  }
0xb2: {  	[dreg:$0x5] =	wrdreg $0x9  }
0xb3: {  	_ =	task.clear_ibuf [dreg:s8], $0x6FFFF;
	_ =	strace $0x90000046  }
0xb4: {  	s29 =	simm.s32 $0x9;
	_ =	strace $0x80000048  }
0xb5: {  	_ =	swait.ge [sflag:s29], $0x1  }
0xb6: {  	[sflag:s29] =	ssyncadd.s32 $0xFFFFFFFF  }
0xb7: {  	_ =	strace $0x90000048  }
0xb8: {  	_ =	sfence  }
0xb9: {  	s30 =	sld [smem:$0x0];
	_ =	sdelay $0x2  }
0xba: {  	s31 =	sshll.u32 s1, $0xD;
	s1 =	sshrl.u32 s1, $0x2  }
0xbb: {  	s3 =	sand.u32 $0x4000, s31;
	s1 =	sadd.s32 s1, s30  }
0xbc: {  	s0 =	sor.u32 s3, s0;
	s1 =	sshll.u32 s1, $0x11  }
0xbd: {  	s0 =	sor.u32 s1, s0  }
0xbe: {  	s0 =	sadd.s32 $0x8F2B, s0  }
0xbf: {  	[sflag:s0] =	ssyncadd.remote.s32 $0x1  }
0xc0: {  	_ =	sfence.sel $0xFFFF  }
0xc1: {  	[dreg:$0x0] =	wrdreg $0xFFFFFFFF;
	(pc) =	sbr.abs _section_cstart, $3  }
0xc2: {  	[dreg:$0x1] =	wrdreg $0xFFFFFFFF  }
0xc3: {  	_ =	task.clear_ibuf [dreg:s8], $0x2FFFF;
	_ =	strace $0x9FFFFFFF  }
0xc4: {  	(tm) =	ssettm $0x7FFFFFFF  }
0xc5: {  	_ =	shalt  }
tec
execute0_lowered:
.L_overlay_start_1:
0x0: {  	(tag) =	ssettag $0x1  }
0x1: {  	s1 =	rddreg [dreg:$0x0]  }
0x2: {  	s4 =	rddreg [dreg:$0x1]  }
0x3: {  	s5 =	rddreg [dreg:$0x2]  }
0x4: {  	s0 =	rddreg [dreg:$0x3]  }
0x5: {  	s3 =	simm.s32 $0x0;
	s6 =	srdreg.scid;
	s2 =	stileid.u32  }
0x6: {  	s12 =	simm.s32 $0x6000;
	s13 =	simm.s32 $0x6080;
	s14 =	simm.s32 $0x0  }
0x7: {  	[smem:$0x7FF] =	sst s3;
	s6 =	sand.u32 $0x1, s6;
	s7 =	sshll.u32 s2, $0x1  }
0x8: {  	s31 =	sshll.u32 s2, $0xE;
	_ =	strace $0x80000047;
	s7 =	sor.u32 s6, s7  }
0x9: {  	s8 =	ssub.s32 $0x2, s6;
	s11 =	sshll.u32 s6, $0xD;
	s9 =	sshll.u32 s7, $0x4  }
0xa: {  	s10 =	sshrl.u32 s8, $0x1;
	s7 =	sshll.u32 s7, $0xA;
	s9 =	sadd.s32 s9, s5  }
0xb: {  	s8 =	ssub.s32 s8, s10;
	s4 =	sadd.s32 s4, s7;
	s10 =	simm.s32 $0x80  }
0xc: {  	v0 =	vlaneseq.u32;
	s5 =	sadd.s32 $0xC00, s9;
	s6 =	sadd.s32 $0xE00, s9;
	s7 =	smax.u32 s8, $0x1  }
0xd: {  	v1 =	vimm.f32 $1.000000000e+00;
	v0 =	vmul.u32 $0xAA, v0;
	s8 =	sor.u32 s11, s31;
	s9 =	simm.s32 $0x2;
	s11 =	simm.s32 $0x1  }
.LBB2_1:
0xe: {  	[tilespmem:s3], [sflag:$0x2] =	stream.linear.gather [hbm4b:s4+s3], $0x2000, $0x38;
	[tilespmem:$0x6100] =	vst v63  }
0xf: {  	_ =	swait.ge [sflag:s9], $0x2000  }
0x10: {  	[sflag:s9] =	ssyncset.done $0x0  }
0x11: {  	s16 =	simm.s32 $0x40;
	[sflag:s9] =	ssyncadd.s32 $0xFFFFE000  }
0x12: {  	v2 =	vld [tilespmem:s16+$0xFFFFFFC0];
	_ =	sdelay $0x1  }
0x13: {  	s17 =	sadd.s32 $0x0, s8  }
0x14: {  	v3 =	vmov s17  }
0x15: {  	v3 =	vmul.u32 $0xAA, v3  }
0x16: {  	vm0 =	vgt.s32 v2, $0x0  }
0x17: {  	v3 =	vbroadcast v3, $0x0;
	v2 =	vnsel vm0, $0x0, v2  }
0x18: {  	v2 =	vmin.u32 v2, $0xA9  }
0x19: {  	v2 =	vadd.s32 v2, v3  }
0x1a: {  	s15 =	simm.s32 $0x2040;
	v2 =	vadd.s32 v0, v2  }
0x1b: {  	[tilespmem:s15+$0xFFFFFFC0] =	vst v2  }
0x1c: {  	v2 =	vld [tilespmem:s16+$0xFFFFFFD0];
	_ =	sdelay $0x1  }
0x1d: {  	s18 =	sadd.s32 $0x10, s17  }
0x1e: {  	v3 =	vmov s18  }
0x1f: {  	v3 =	vmul.u32 $0xAA, v3  }
0x20: {  	vm9 =	vgt.s32 v2, $0x0  }
0x21: {  	v3 =	vbroadcast v3, $0x0;
	v2 =	vnsel vm9, $0x0, v2  }
0x22: {  	v2 =	vmin.u32 v2, $0xA9  }
0x23: {  	v2 =	vadd.s32 v2, v3  }
0x24: {  	v2 =	vadd.s32 v0, v2  }
0x25: {  	[tilespmem:s15+$0xFFFFFFD0] =	vst v2  }
0x26: {  	v2 =	vld [tilespmem:s16+$0xFFFFFFE0];
	_ =	sdelay $0x1  }
0x27: {  	s25 =	sadd.s32 $0x20, s17  }
0x28: {  	v3 =	vmov s25  }
0x29: {  	v3 =	vmul.u32 $0xAA, v3  }
0x2a: {  	vm10 =	vgt.s32 v2, $0x0  }
0x2b: {  	v3 =	vbroadcast v3, $0x0;
	v2 =	vnsel vm10, $0x0, v2  }
0x2c: {  	v2 =	vmin.u32 v2, $0xA9  }
0x2d: {  	v2 =	vadd.s32 v2, v3  }
0x2e: {  	v2 =	vadd.s32 v0, v2  }
0x2f: {  	[tilespmem:s15+$0xFFFFFFE0] =	vst v2  }
0x30: {  	v2 =	vld [tilespmem:s16+$0xFFFFFFF0];
	_ =	sdelay $0x1  }
0x31: {  	s26 =	sadd.s32 $0x30, s17  }
0x32: {  	v3 =	vmov s26  }
0x33: {  	v3 =	vmul.u32 $0xAA, v3  }
0x34: {  	vm11 =	vgt.s32 v2, $0x0  }
0x35: {  	v3 =	vbroadcast v3, $0x0;
	v2 =	vnsel vm11, $0x0, v2  }
0x36: {  	v2 =	vmin.u32 v2, $0xA9  }
0x37: {  	v2 =	vadd.s32 v2, v3  }
0x38: {  	v2 =	vadd.s32 v0, v2  }
0x39: {  	[tilespmem:s15+$0xFFFFFFF0] =	vst v2  }
0x3a: {  	v2 =	vld [tilespmem:s16+$0x0];
	_ =	sdelay $0x1  }
0x3b: {  	s28 =	sadd.s32 $0x40, s17  }
0x3c: {  	v3 =	vmov s28  }
0x3d: {  	v3 =	vmul.u32 $0xAA, v3  }
0x3e: {  	vm12 =	vgt.s32 v2, $0x0  }
0x3f: {  	v3 =	vbroadcast v3, $0x0;
	v2 =	vnsel vm12, $0x0, v2  }
0x40: {  	v2 =	vmin.u32 v2, $0xA9  }
0x41: {  	v2 =	vadd.s32 v2, v3  }
0x42: {  	v2 =	vadd.s32 v0, v2  }
0x43: {  	[tilespmem:s15+$0x0] =	vst v2  }
0x44: {  	v2 =	vld [tilespmem:s16+$0x10];
	_ =	sdelay $0x1  }
0x45: {  	s29 =	sadd.s32 $0x50, s17  }
0x46: {  	v3 =	vmov s29  }
0x47: {  	v3 =	vmul.u32 $0xAA, v3  }
0x48: {  	vm13 =	vgt.s32 v2, $0x0  }
0x49: {  	v3 =	vbroadcast v3, $0x0;
	v2 =	vnsel vm13, $0x0, v2  }
0x4a: {  	v2 =	vmin.u32 v2, $0xA9  }
0x4b: {  	v2 =	vadd.s32 v2, v3  }
0x4c: {  	v2 =	vadd.s32 v0, v2  }
0x4d: {  	[tilespmem:s15+$0x10] =	vst v2  }
0x4e: {  	v2 =	vld [tilespmem:s16+$0x20];
	_ =	sdelay $0x1  }
0x4f: {  	s30 =	sadd.s32 $0x60, s17  }
0x50: {  	v3 =	vmov s30  }
0x51: {  	v3 =	vmul.u32 $0xAA, v3  }
0x52: {  	vm14 =	vgt.s32 v2, $0x0  }
0x53: {  	v3 =	vbroadcast v3, $0x0;
	v2 =	vnsel vm14, $0x0, v2  }
0x54: {  	v2 =	vmin.u32 v2, $0xA9  }
0x55: {  	v2 =	vadd.s32 v2, v3  }
0x56: {  	v2 =	vadd.s32 v0, v2  }
0x57: {  	[tilespmem:s15+$0x20] =	vst v2  }
0x58: {  	v2 =	vld [tilespmem:s16+$0x30];
	_ =	sdelay $0x1  }
0x59: {  	s31 =	sadd.s32 $0x70, s17  }
0x5a: {  	v3 =	vmov s31  }
0x5b: {  	v3 =	vmul.u32 $0xAA, v3  }
0x5c: {  	vm15 =	vgt.s32 v2, $0x0  }
0x5d: {  	v3 =	vbroadcast v3, $0x0;
	v2 =	vnsel vm15, $0x0, v2  }
0x5e: {  	v2 =	vmin.u32 v2, $0xA9  }
0x5f: {  	v2 =	vadd.s32 v2, v3  }
0x60: {  	v2 =	vadd.s32 v0, v2  }
0x61: {  	s16 =	simm.s32 $0xC0;
	[tilespmem:s15+$0x30] =	vst v2  }
0x62: {  	s17 =	simm.s32 $0x80;
	s18 =	simm.s32 $0x100;
	v2 =	vld [tilespmem:s16+$0xFFFFFFC0]  }
.LBB2_2:
0x63: {  	p0 =	sne.s32 s18, $0x1F80  }
0x64: {  	s19 =	sadd.s32 s17, s8;
	s17 =	smov.u32 s18  }
0x65: {  	v3 =	vmov s19  }
0x66: {  	v3 =	vmul.u32 $0xAA, v3  }
0x67: {  	vm0 =	vgt.s32 v2, $0x0  }
0x68: {  	v3 =	vbroadcast v3, $0x0;
	v2 =	vnsel vm0, $0x0, v2  }
0x69: {  	v2 =	vmin.u32 v2, $0xA9  }
0x6a: {  	v2 =	vadd.s32 v2, v3  }
0x6b: {  	s15 =	sadd.s32 $0x80, s15;
	v2 =	vadd.s32 v0, v2  }
0x6c: {  	[tilespmem:s15+$0xFFFFFFC0] =	vst v2  }
0x6d: {  	v2 =	vld [tilespmem:s16+$0xFFFFFFD0];
	_ =	sdelay $0x1  }
0x6e: {  	s20 =	sadd.s32 $0x10, s19  }
0x6f: {  	v3 =	vmov s20  }
0x70: {  	v3 =	vmul.u32 $0xAA, v3  }
0x71: {  	vm0 =	vgt.s32 v2, $0x0  }
0x72: {  	v3 =	vbroadcast v3, $0x0;
	v2 =	vnsel vm0, $0x0, v2  }
0x73: {  	v2 =	vmin.u32 v2, $0xA9  }
0x74: {  	v2 =	vadd.s32 v2, v3  }
0x75: {  	v2 =	vadd.s32 v0, v2  }
0x76: {  	[tilespmem:s15+$0xFFFFFFD0] =	vst v2  }
0x77: {  	v2 =	vld [tilespmem:s16+$0xFFFFFFE0];
	_ =	sdelay $0x1  }
0x78: {  	s20 =	sadd.s32 $0x20, s19  }
0x79: {  	v3 =	vmov s20  }
0x7a: {  	v3 =	vmul.u32 $0xAA, v3  }
0x7b: {  	vm0 =	vgt.s32 v2, $0x0  }
0x7c: {  	v3 =	vbroadcast v3, $0x0;
	v2 =	vnsel vm0, $0x0, v2  }
0x7d: {  	v2 =	vmin.u32 v2, $0xA9  }
0x7e: {  	v2 =	vadd.s32 v2, v3  }
0x7f: {  	v2 =	vadd.s32 v0, v2  }
0x80: {  	[tilespmem:s15+$0xFFFFFFE0] =	vst v2  }
0x81: {  	v2 =	vld [tilespmem:s16+$0xFFFFFFF0];
	_ =	sdelay $0x1  }
0x82: {  	s20 =	sadd.s32 $0x30, s19  }
0x83: {  	v3 =	vmov s20  }
0x84: {  	v3 =	vmul.u32 $0xAA, v3  }
0x85: {  	vm0 =	vgt.s32 v2, $0x0  }
0x86: {  	v3 =	vbroadcast v3, $0x0;
	v2 =	vnsel vm0, $0x0, v2  }
0x87: {  	v2 =	vmin.u32 v2, $0xA9  }
0x88: {  	v2 =	vadd.s32 v2, v3  }
0x89: {  	v2 =	vadd.s32 v0, v2  }
0x8a: {  	[tilespmem:s15+$0xFFFFFFF0] =	vst v2  }
0x8b: {  	v2 =	vld [tilespmem:s16+$0x0];
	_ =	sdelay $0x1  }
0x8c: {  	s20 =	sadd.s32 $0x40, s19  }
0x8d: {  	v3 =	vmov s20  }
0x8e: {  	v3 =	vmul.u32 $0xAA, v3  }
0x8f: {  	vm0 =	vgt.s32 v2, $0x0  }
0x90: {  	v3 =	vbroadcast v3, $0x0;
	v2 =	vnsel vm0, $0x0, v2  }
0x91: {  	v2 =	vmin.u32 v2, $0xA9  }
0x92: {  	v2 =	vadd.s32 v2, v3  }
0x93: {  	v2 =	vadd.s32 v0, v2  }
0x94: {  	[tilespmem:s15+$0x0] =	vst v2  }
0x95: {  	v2 =	vld [tilespmem:s16+$0x10];
	_ =	sdelay $0x1  }
0x96: {  	s20 =	sadd.s32 $0x50, s19  }
0x97: {  	v3 =	vmov s20  }
0x98: {  	v3 =	vmul.u32 $0xAA, v3  }
0x99: {  	vm0 =	vgt.s32 v2, $0x0  }
0x9a: {  	v3 =	vbroadcast v3, $0x0;
	v2 =	vnsel vm0, $0x0, v2  }
0x9b: {  	v2 =	vmin.u32 v2, $0xA9  }
0x9c: {  	v2 =	vadd.s32 v2, v3  }
0x9d: {  	v2 =	vadd.s32 v0, v2  }
0x9e: {  	[tilespmem:s15+$0x10] =	vst v2  }
0x9f: {  	v2 =	vld [tilespmem:s16+$0x20];
	_ =	sdelay $0x1  }
0xa0: {  	s20 =	sadd.s32 $0x60, s19  }
0xa1: {  	v3 =	vmov s20  }
0xa2: {  	v3 =	vmul.u32 $0xAA, v3  }
0xa3: {  	vm0 =	vgt.s32 v2, $0x0  }
0xa4: {  	v3 =	vbroadcast v3, $0x0;
	v2 =	vnsel vm0, $0x0, v2  }
0xa5: {  	v2 =	vmin.u32 v2, $0xA9  }
0xa6: {  	v2 =	vadd.s32 v2, v3  }
0xa7: {  	v2 =	vadd.s32 v0, v2  }
0xa8: {  	[tilespmem:s15+$0x20] =	vst v2  }
0xa9: {  	v2 =	vld [tilespmem:s16+$0x30];
	_ =	sdelay $0x1  }
0xaa: {  	s19 =	sadd.s32 $0x70, s19  }
0xab: {  	v3 =	vmov s19  }
0xac: {  	v3 =	vmul.u32 $0xAA, v3  }
0xad: {  	vm0 =	vgt.s32 v2, $0x0  }
0xae: {  	v3 =	vbroadcast v3, $0x0;
	v2 =	vnsel vm0, $0x0, v2  }
.Ltmp0:
0xaf: {  	v2 =	vmin.u32 v2, $0xA9;
	(pc) =	sbr.rel @p0 .LBB2_2-.Ltmp0, $4  }
0xb0: {  	v2 =	vadd.s32 v2, v3  }
0xb1: {  	v2 =	vadd.s32 v0, v2  }
0xb2: {  	s16 =	sadd.s32 $0x80, s16;
	[tilespmem:s15+$0x30] =	vst v2  }
0xb3: {  	s18 =	sadd.s32 $0x80, s18;
	v2 =	vld [tilespmem:s16+$0xFFFFFFC0]  }
0xb4: {  	_ = 	snop  }
0xb5: {  	s17 =	sadd.s32 s17, s8  }
0xb6: {  	v3 =	vmov s17  }
0xb7: {  	v3 =	vmul.u32 $0xAA, v3  }
0xb8: {  	vm0 =	vgt.s32 v2, $0x0  }
0xb9: {  	v3 =	vbroadcast v3, $0x0;
	v2 =	vnsel vm0, $0x0, v2  }
0xba: {  	v2 =	vmin.u32 v2, $0xA9  }
0xbb: {  	v2 =	vadd.s32 v2, v3  }
0xbc: {  	s15 =	sadd.s32 $0x80, s15;
	v2 =	vadd.s32 v0, v2  }
0xbd: {  	[tilespmem:s15+$0xFFFFFFC0] =	vst v2  }
0xbe: {  	v2 =	vld [tilespmem:s16+$0xFFFFFFD0];
	_ =	sdelay $0x1  }
0xbf: {  	s18 =	sadd.s32 $0x10, s17  }
0xc0: {  	v3 =	vmov s18  }
0xc1: {  	v3 =	vmul.u32 $0xAA, v3  }
0xc2: {  	vm9 =	vgt.s32 v2, $0x0  }
0xc3: {  	v3 =	vbroadcast v3, $0x0;
	v2 =	vnsel vm9, $0x0, v2  }
0xc4: {  	v2 =	vmin.u32 v2, $0xA9  }
0xc5: {  	v2 =	vadd.s32 v2, v3  }
0xc6: {  	v2 =	vadd.s32 v0, v2  }
0xc7: {  	[tilespmem:s15+$0xFFFFFFD0] =	vst v2  }
0xc8: {  	v2 =	vld [tilespmem:s16+$0xFFFFFFE0];
	_ =	sdelay $0x1  }
0xc9: {  	s25 =	sadd.s32 $0x20, s17  }
0xca: {  	v3 =	vmov s25  }
0xcb: {  	v3 =	vmul.u32 $0xAA, v3  }
0xcc: {  	vm10 =	vgt.s32 v2, $0x0  }
0xcd: {  	v3 =	vbroadcast v3, $0x0;
	v2 =	vnsel vm10, $0x0, v2  }
0xce: {  	v2 =	vmin.u32 v2, $0xA9  }
0xcf: {  	v2 =	vadd.s32 v2, v3  }
0xd0: {  	v2 =	vadd.s32 v0, v2  }
0xd1: {  	[tilespmem:s15+$0xFFFFFFE0] =	vst v2  }
0xd2: {  	v2 =	vld [tilespmem:s16+$0xFFFFFFF0];
	_ =	sdelay $0x1  }
0xd3: {  	s26 =	sadd.s32 $0x30, s17  }
0xd4: {  	v3 =	vmov s26  }
0xd5: {  	v3 =	vmul.u32 $0xAA, v3  }
0xd6: {  	vm11 =	vgt.s32 v2, $0x0  }
0xd7: {  	v3 =	vbroadcast v3, $0x0;
	v2 =	vnsel vm11, $0x0, v2  }
0xd8: {  	v2 =	vmin.u32 v2, $0xA9  }
0xd9: {  	v2 =	vadd.s32 v2, v3  }
0xda: {  	v2 =	vadd.s32 v0, v2  }
0xdb: {  	[tilespmem:s15+$0xFFFFFFF0] =	vst v2  }
0xdc: {  	v2 =	vld [tilespmem:s16+$0x0];
	_ =	sdelay $0x1  }
0xdd: {  	s28 =	sadd.s32 $0x40, s17  }
0xde: {  	v3 =	vmov s28  }
0xdf: {  	v3 =	vmul.u32 $0xAA, v3  }
0xe0: {  	vm12 =	vgt.s32 v2, $0x0  }
0xe1: {  	v3 =	vbroadcast v3, $0x0;
	v2 =	vnsel vm12, $0x0, v2  }
0xe2: {  	v2 =	vmin.u32 v2, $0xA9  }
0xe3: {  	v2 =	vadd.s32 v2, v3  }
0xe4: {  	v2 =	vadd.s32 v0, v2  }
0xe5: {  	[tilespmem:s15+$0x0] =	vst v2  }
0xe6: {  	v2 =	vld [tilespmem:s16+$0x10];
	_ =	sdelay $0x1  }
0xe7: {  	s29 =	sadd.s32 $0x50, s17  }
0xe8: {  	v3 =	vmov s29  }
0xe9: {  	v3 =	vmul.u32 $0xAA, v3  }
0xea: {  	vm13 =	vgt.s32 v2, $0x0  }
0xeb: {  	v3 =	vbroadcast v3, $0x0;
	v2 =	vnsel vm13, $0x0, v2  }
0xec: {  	v2 =	vmin.u32 v2, $0xA9  }
0xed: {  	v2 =	vadd.s32 v2, v3  }
0xee: {  	v2 =	vadd.s32 v0, v2  }
0xef: {  	[tilespmem:s15+$0x10] =	vst v2  }
0xf0: {  	v2 =	vld [tilespmem:s16+$0x20];
	_ =	sdelay $0x1  }
0xf1: {  	s30 =	sadd.s32 $0x60, s17  }
0xf2: {  	v3 =	vmov s30  }
0xf3: {  	v3 =	vmul.u32 $0xAA, v3  }
0xf4: {  	vm14 =	vgt.s32 v2, $0x0  }
0xf5: {  	v3 =	vbroadcast v3, $0x0;
	v2 =	vnsel vm14, $0x0, v2  }
0xf6: {  	v2 =	vmin.u32 v2, $0xA9  }
0xf7: {  	v2 =	vadd.s32 v2, v3  }
0xf8: {  	v2 =	vadd.s32 v0, v2  }
0xf9: {  	[tilespmem:s15+$0x20] =	vst v2  }
0xfa: {  	v2 =	vld [tilespmem:s16+$0x30];
	_ =	sdelay $0x1  }
0xfb: {  	s31 =	sadd.s32 $0x70, s17  }
0xfc: {  	v3 =	vmov s31  }
0xfd: {  	v3 =	vmul.u32 $0xAA, v3  }
0xfe: {  	vm15 =	vgt.s32 v2, $0x0  }
0xff: {  	v3 =	vbroadcast v3, $0x0;
	v2 =	vnsel vm15, $0x0, v2  }
0x100: {  	v2 =	vmin.u32 v2, $0xA9  }
0x101: {  	v2 =	vadd.s32 v2, v3  }
0x102: {  	v2 =	vadd.s32 v0, v2  }
0x103: {  	[tilespmem:s15+$0x30] =	vst v2;
	s15 =	simm.s32 $0x0  }
.LBB2_4:
0x104: {  	p0 =	sne.s32 s15, $0x7E00  }
.Ltmp1:
0x105: {  	_ = 	snop;
	(pc) =	sbr.rel @p0 .LBB2_4-.Ltmp1, $4  }
0x106: {  	_ = 	snop  }
0x107: {  	s16 =	sshra.s32 s15, $0x2  }
0x108: {  	s15 =	sadd.s32 $0x200, s15;
	s17 =	sadd.s32 $0x4000, s16;
	s16 =	sadd.s32 $0x2000, s16  }
0x109: {  	[tilespmem:s17], [sflag:$0x1] =	stream.indirect.gather [hbm4b:s1+s10], $0x1, s16, s10, $0xb8;
	[tilespmem:$0x6100] =	vst v63  }
0x10a: {  	s15 =	simm.s32 $0x40  }
.LBB2_6:
0x10b: {  	p0 =	sne.s32 s15, $0x1  }
.Ltmp2:
0x10c: {  	_ = 	snop;
	(pc) =	sbr.rel @p0 .LBB2_6-.Ltmp2, $4  }
0x10d: {  	_ = 	snop  }
0x10e: {  	_ =	swait.ge [sflag:s11], $0x80  }
0x10f: {  	[sflag:s11] =	ssyncset.done $0x0  }
0x110: {  	s15 =	sadd.s32 $0xFFFFFFFF, s15;
	[sflag:s11] =	ssyncadd.s32 $0xFFFFFF80  }
0x111: {  	s16 =	simm.s32 $0x0  }
0x112: {  	v2 =	vld [tilespmem:s16+$0x4070]  }
0x113: {  	v3 =	vld [tilespmem:s16+$0x4060]  }
0x114: {  	v4 =	vld [tilespmem:s16+$0x10]  }
0x115: {  	v5 =	vld [tilespmem:s16+$0x4050]  }
0x116: {  	v6 =	vld [tilespmem:s16+$0x0]  }
0x117: {  	v7 =	vld [tilespmem:s16+$0x4000]  }
0x118: {  	v8 =	vld [tilespmem:s16+$0x4010]  }
0x119: {  	v9 =	vld [tilespmem:s16+$0x20]  }
0x11a: {  	v10 =	vld [tilespmem:s16+$0x30]  }
0x11b: {  	v12 =	vld [tilespmem:s16+$0x4020]  }
0x11c: {  	s15 =	simm.s32 $0x80;
	v15 =	vld [tilespmem:s16+$0x50]  }
0x11d: {  	v18 =	vld [tilespmem:s15+$0x4070]  }
0x11e: {  	v11 =	vimm.f32 $0.0e+00;
	v2 =	vsub.f32 $1.000000000e+00, v2;
	v3 =	vsub.f32 $1.000000000e+00, v3  }
0x11f: {  	vm1 =	veq.s32 v4, $0xFFFFFFFF;
	vm0 =	veq.s32 v6, $0xFFFFFFFF;
	v4 =	vsub.f32 $1.000000000e+00, v8  }
0x120: {  	v6 =	vld [tilespmem:s16+$0x4030];
	v13 =	vmul.f32 v2, v2;
	v2 =	vsub.f32 $1.000000000e+00, v5;
	v5 =	vsub.f32 $1.000000000e+00, v7  }
0x121: {  	vm2 =	veq.s32 v9, $0xFFFFFFFF;
	vm3 =	veq.s32 v10, $0xFFFFFFFF;
	v10 =	vsub.f32 $1.000000000e+00, v12;
	v7 =	vld [tilespmem:s16+$0x40]  }
0x122: {  	v8 =	vld [tilespmem:s16+$0x4040];
	vm4 =	veq.s32 v15, $0xFFFFFFFF;
	v18 =	vsub.f32 $1.000000000e+00, v18;
	v5 =	vmul.f32 v5, v5  }
0x123: {  	v9 =	vsel vm1, $0x0, v1;
	v14 =	vsel vm2, $0x0, v1;
	v4 =	vmul.f32 v4, v4  }
0x124: {  	v12 =	vsel vm3, $0x0, v1;
	v20 =	vsel vm0, $0x0, v1;
	v5 =	vsel vm0, $0x0, v5  }
0x125: {  	v16 =	vld [tilespmem:s16+$0x60];
	v2 =	vmul.f32 v2, v2;
	v4 =	vsel vm1, $0x0, v4;
	v5 =	vadd.f32 v5, v11  }
0x126: {  	v6 =	vsub.f32 $1.000000000e+00, v6;
	vm1 =	veq.s32 v7, $0xFFFFFFFF;
	v7 =	vmul.f32 v10, v10;
	v10 =	vld [tilespmem:s16+$0x70]  }
0x127: {  	v22 =	vld [tilespmem:s15+$0x4050];
	v8 =	vsub.f32 $1.000000000e+00, v8;
	v21 =	vsel vm4, $0x0, v2;
	v4 =	vadd.f32 v4, v5  }
0x128: {  	v2 =	vadd.f32 v20, v11;
	v6 =	vmul.f32 v6, v6;
	v5 =	vsel vm2, $0x0, v7;
	v7 =	vld [tilespmem:s15+$0x4060]  }
0x129: {  	v62 =	vld [tilespmem:s15+$0x4000];
	v19 =	vsel vm4, $0x0, v1;
	v8 =	vmul.f32 v8, v8;
	v4 =	vadd.f32 v5, v4  }
0x12a: {  	v11 =	vld [tilespmem:s15+$0x0];
	v17 =	vsel vm1, $0x0, v1;
	v9 =	vadd.f32 v9, v2;
	v6 =	vsel vm3, $0x0, v6  }
0x12b: {  	v2 =	vmul.f32 v18, v18;
	v5 =	vld [tilespmem:s15+$0x10];
	vm0 =	veq.s32 v10, $0xFFFFFFFF;
	v4 =	vadd.f32 v6, v4  }
0x12c: {  	v6 =	vmul.f32 v3, v3;
	v3 =	vsel vm1, $0x0, v8;
	v8 =	vld [tilespmem:s15+$0x4010];
	v13 =	vsel vm0, $0x0, v13  }
0x12d: {  	v15 =	vld [tilespmem:s15+$0x20];
	v10 =	vadd.f32 v3, v4;
	v4 =	vsel vm0, $0x0, v1;
	v3 =	vsub.f32 $1.000000000e+00, v7  }
0x12e: {  	v63 =	vld [tilespmem:s15+$0x40];
	v7 =	vadd.f32 v14, v9;
	vm0 =	veq.s32 v16, $0xFFFFFFFF;
	v14 =	vsub.f32 $1.000000000e+00, v22  }
0x12f: {  	v6 =	vsel vm0, $0x0, v6;
	v16 =	vsel vm0, $0x0, v1;
	v9 =	vadd.f32 v21, v10;
	v10 =	vld [tilespmem:s15+$0x30]  }
0x130: {  	v18 =	vld [tilespmem:s15+$0x4040];
	vm0 =	veq.s32 v11, $0xFFFFFFFF;
	v11 =	vsub.f32 $1.000000000e+00, v62;
	v12 =	vadd.f32 v12, v7  }
0x131: {  	vm3 =	veq.s32 v5, $0xFFFFFFFF;
	v8 =	vsub.f32 $1.000000000e+00, v8;
	v6 =	vadd.f32 v6, v9;
	v9 =	vld [tilespmem:s15+$0x4020]  }
0x132: {  	vm1 =	veq.s32 v15, $0xFFFFFFFF;
	v5 =	vmul.f32 v14, v14;
	v7 =	vsel vm3, $0x0, v1  }
0x133: {  	v11 =	vmul.f32 v11, v11;
	v15 =	vadd.f32 v17, v12;
	v12 =	vld [tilespmem:s15+$0x4030];
	v14 =	vmul.f32 v8, v8  }
0x134: {  	v8 =	vsel vm1, $0x0, v1;
	v17 =	vadd.f32 v13, v6;
	vm2 =	veq.s32 v10, $0xFFFFFFFF;
	v10 =	vld [tilespmem:s15+$0x50]  }
0x135: {  	v19 =	vadd.f32 v19, v15;
	v13 =	vsel vm3, $0x0, v14;
	v14 =	vsel vm0, $0x0, v11  }
0x136: {  	v11 =	vsub.f32 $1.000000000e+00, v18;
	vm3 =	veq.s32 v63, $0xFFFFFFFF;
	v15 =	vsub.f32 $1.000000000e+00, v9  }
0x137: {  	s16 =	simm.s32 $0x400;
	v6 =	vsel vm2, $0x0, v1;
	v14 =	vadd.f32 v14, v17;
	v16 =	vadd.f32 v16, v19;
	v9 =	vld [tilespmem:s15+$0x60]  }
.LBB2_8:
0x138: {  	p0 =	sne.s32 s16, $0x7E00;
	v15 =	vmul.f32 v15, v15;
	v12 =	vsub.f32 $1.000000000e+00, v12;
	v17 =	vsel vm3, $0x0, v1;
	v18 =	vld [tilespmem:s15+$0x70];
	s15 =	sshra.s32 s16, $0x2;
	s16 =	sadd.s32 $0x200, s16  }
0x139: {  	v19 =	vld [tilespmem:s15+$0x4070];
	v13 =	vadd.f32 v13, v14;
	vm4 =	veq.s32 v10, $0xFFFFFFFF;
	v4 =	vadd.f32 v4, v16  }
0x13a: {  	v10 =	vld [tilespmem:s15+$0x20];
	v14 =	vsel vm1, $0x0, v15;
	v12 =	vmul.f32 v12, v12;
	v15 =	vsel vm4, $0x0, v1  }
0x13b: {  	v20 =	vsel vm0, $0x0, v1;
	v16 =	vld [tilespmem:s15+$0x4060];
	v13 =	vadd.f32 v14, v13  }
0x13c: {  	v11 =	vmul.f32 v11, v11;
	v5 =	vsel vm4, $0x0, v5;
	v14 =	vld [tilespmem:s15+$0x10];
	v12 =	vsel vm2, $0x0, v12  }
0x13d: {  	v4 =	vadd.f32 v20, v4;
	v21 =	vld [tilespmem:s15+$0x4050];
	v12 =	vadd.f32 v12, v13;
	v13 =	vmul.f32 v3, v3  }
0x13e: {  	v3 =	vsel vm3, $0x0, v11;
	vm0 =	veq.s32 v18, $0xFFFFFFFF;
	v20 =	vld [tilespmem:s15+$0x0];
	v19 =	vsub.f32 $1.000000000e+00, v19  }
0x13f: {  	v7 =	vadd.f32 v7, v4;
	v4 =	vsel vm0, $0x0, v1;
	v11 =	vld [tilespmem:s15+$0x4010];
	v12 =	vadd.f32 v3, v12  }
0x140: {  	v18 =	vld [tilespmem:s15+$0x4000];
	v3 =	vsub.f32 $1.000000000e+00, v16;
	v16 =	vsel vm0, $0x0, v2;
	v2 =	vmul.f32 v19, v19  }
0x141: {  	v7 =	vadd.f32 v8, v7;
	vm0 =	veq.s32 v9, $0xFFFFFFFF;
	v5 =	vadd.f32 v5, v12  }
0x142: {  	v12 =	vsel vm0, $0x0, v13;
	v19 =	vsel vm0, $0x0, v1;
	v9 =	vld [tilespmem:s15+$0x30];
	v8 =	vsub.f32 $1.000000000e+00, v21  }
0x143: {  	vm3 =	veq.s32 v14, $0xFFFFFFFF;
	v6 =	vadd.f32 v6, v7;
	v14 =	vld [tilespmem:s15+$0x4040];
	v13 =	vadd.f32 v12, v5  }
0x144: {  	vm0 =	veq.s32 v20, $0xFFFFFFFF;
	v11 =	vsub.f32 $1.000000000e+00, v11;
	v20 =	vld [tilespmem:s15+$0x4020];
	v5 =	vmul.f32 v8, v8  }
0x145: {  	vm1 =	veq.s32 v10, $0xFFFFFFFF;
	v7 =	vsel vm3, $0x0, v1;
	v8 =	vsub.f32 $1.000000000e+00, v18;
	v18 =	vld [tilespmem:s15+$0x40]  }
.Ltmp3:
0x146: {  	v17 =	vadd.f32 v17, v6;
	v16 =	vadd.f32 v16, v13;
	v11 =	vmul.f32 v11, v11;
	v12 =	vld [tilespmem:s15+$0x4030];
	(pc) =	sbr.rel @p0 .LBB2_8-.Ltmp3, $4  }
0x147: {  	v21 =	vmul.f32 v8, v8;
	v8 =	vsel vm1, $0x0, v1;
	vm2 =	veq.s32 v9, $0xFFFFFFFF;
	v10 =	vld [tilespmem:s15+$0x50]  }
0x148: {  	v17 =	vadd.f32 v15, v17;
	v13 =	vsel vm3, $0x0, v11;
	v6 =	vsel vm2, $0x0, v1  }
0x149: {  	v11 =	vsub.f32 $1.000000000e+00, v14;
	v9 =	vsel vm0, $0x0, v21;
	v15 =	vsub.f32 $1.000000000e+00, v20  }
0x14a: {  	v14 =	vadd.f32 v9, v16;
	vm3 =	veq.s32 v18, $0xFFFFFFFF;
	v9 =	vld [tilespmem:s15+$0x60];
	v16 =	vadd.f32 v19, v17  }
0x14b: {  	_ = 	snop  }
0x14c: {  	v4 =	vadd.f32 v4, v16  }
0x14d: {  	v56 =	vsel vm0, $0x0, v1  }
0x14e: {  	v15 =	vmul.f32 v15, v15;
	v12 =	vsub.f32 $1.000000000e+00, v12;
	v4 =	vadd.f32 v56, v4  }
0x14f: {  	v13 =	vadd.f32 v13, v14  }
0x150: {  	v57 =	vsel vm1, $0x0, v15;
	v12 =	vmul.f32 v12, v12;
	v4 =	vadd.f32 v7, v4  }
0x151: {  	v58 =	vadd.f32 v57, v13  }
0x152: {  	v11 =	vmul.f32 v11, v11;
	v12 =	vsel vm2, $0x0, v12;
	v4 =	vadd.f32 v8, v4  }
0x153: {  	v7 =	vadd.f32 v12, v58  }
0x154: {  	v59 =	vld [tilespmem:s15+$0x70];
	v11 =	vsel vm3, $0x0, v11;
	v4 =	vadd.f32 v6, v4  }
0x155: {  	v60 =	vsel vm3, $0x0, v1;
	vm13 =	veq.s32 v10, $0xFFFFFFFF;
	v7 =	vadd.f32 v11, v7  }
0x156: {  	v3 =	vmul.f32 v3, v3;
	v5 =	vsel vm13, $0x0, v5;
	v4 =	vadd.f32 v60, v4  }
0x157: {  	v61 =	vsel vm13, $0x0, v1;
	vm14 =	veq.s32 v9, $0xFFFFFFFF;
	v5 =	vadd.f32 v5, v7  }
0x158: {  	v3 =	vsel vm14, $0x0, v3;
	v4 =	vadd.f32 v61, v4  }
0x159: {  	vm15 =	veq.s32 v59, $0xFFFFFFFF;
	v62 =	vsel vm14, $0x0, v1;
	v3 =	vadd.f32 v3, v5  }
0x15a: {  	v2 =	vsel vm15, $0x0, v2;
	v4 =	vadd.f32 v62, v4  }
0x15b: {  	v63 =	vsel vm15, $0x0, v1;
	v2 =	vadd.f32 v2, v3  }
0x15c: {  	v3 =	vadd.f32 v63, v4  }
0x15d: {  	[tilespmem:$0x6000] =	vst v2  }
0x15e: {  	[tilespmem:$0x6080] =	vst v3  }
0x15f: {  	[hbm4b:s5+s3] =	stream.linear.scatter [tilespmem:s12], [sflag:$0x2], $0x80, $0x38;
	[tilespmem:$0x6100] =	vst v63  }
0x160: {  	s14 =	sadd.s32 $0x1, s14;
	_ =	swait.ge [sflag:s9], $0x80  }
0x161: {  	p0 =	sne.s32 s14, s7;
	[sflag:s9] =	ssyncset.done $0x0  }
.Ltmp4:
0x162: {  	[sflag:s9] =	ssyncadd.s32 $0xFFFFFF80;
	(pc) =	sbr.rel @p0 .LBB2_1-.Ltmp4, $4  }
0x163: {  	[hbm4b:s6+s3] =	stream.linear.scatter [tilespmem:s13], [sflag:$0x2], $0x80, $0x38;
	[tilespmem:$0x6100] =	vst v63  }
0x164: {  	_ =	swait.ge [sflag:s9], $0x80  }
0x165: {  	[sflag:s9] =	ssyncset.done $0x0  }
0x166: {  	[sflag:s9] =	ssyncadd.s32 $0xFFFFFF80  }
0x167: {  	_ =	sfence.sel $0x180000  }
0x168: {  	[bflag:$0x0] =	sbarrier.arrive $0xFFFF  }
0x169: {  	p0 =	sne.s32 s2, $0x0;
	_ =	strace $0x90000047  }
0x16a: {  	s0 =	sadd.s32 @!p0 $0x100000, s0;
	[bflag:$0x2] =	sbarrier.arrive $0xFFFF  }
0x16b: {  	[sflag:s0] =	ssyncadd.tile.s32 @!p0 $0x1;
	_ =	shalt  }
.Lfunc_end2:
_tile_overlayer_lowered:
.L_overlay_start_2:
0x16c: {  	(tag) =	ssettag $0x2  }
0x16d: {  	s0 =	rddreg [dreg:$0x0];
	s2 =	stileid.u32  }
0x16e: {  	s1 =	rddreg [dreg:$0x1];
	p0 =	sne.s32 s2, $0x0  }
0x16f: {  	s3 =	rddreg [dreg:$0x2];
	[bflag:$0x3] =	sbarrier.arrive $0xFFFF;
	s2 =	simm.s32 @!p0 $0x1C02  }
0x170: {  	[timem:s3], [sflag:s2] =	dma.local @!p0 [hbm:s0], s1  }
0x171: {  	s0 =	simm.s32 @!p0 $0x2  }
0x172: {  	_ =	swait.ge @!p0 [sflag:s0], s1  }
0x173: {  	s1 =	ssub.s32 @!p0 $0x0, s1;
	[sflag:s0] =	ssyncset.done @!p0 $0x0  }
0x174: {  	[sflag:s0] =	ssyncadd.s32 @!p0 s1  }
0x175: {  	[bflag:$0x3] =	sbarrier.arrive $0xFFFF  }
0x176: {  	_ =	shalt  }

</sc_bundles>
